<compile_context>
chip_gen: v7x
topology: tpu7x:2x2x1
jax: 0.10.2.dev20260603
libtpu: 0.0.44.dev20260713+nightly
codegen_flags: <defaults>
</compile_context>

<pallas_src>
import functools

import jax
import jax.numpy as jnp
import numpy as np
from jax import lax
from jax.experimental import pallas as pl
from jax.experimental.pallas import tpu as pltpu
from jax.experimental.pallas import tpu_sc as plsc

_A = 9
_STRIDE = 16
_PRE = 6000
_POST = 300
_THRESH = 0.7
_NEG = -1e30
_VALID_TH = -5e29

_B = 4
_N = 36864
_M = 6144
_NSUB = 8
_CHUNK = _N // _NSUB
_NJ = _CHUNK // 128
_NW = _B * _NSUB
_NR = _B * _N // 128
_NC = _N // 128
_DUMP = _B * _M
_OUTN = _DUMP + 64


def _host_anchors(feature_h, feature_w):
    base_size = 16.0
    ratios = np.array([0.5, 1.0, 2.0])
    scales = np.array([8.0, 16.0, 32.0])
    x_ctr = (base_size - 1.0) / 2.0
    y_ctr = (base_size - 1.0) / 2.0
    size = base_size * base_size
    rows = []
    for r in ratios:
        ws = np.round(np.sqrt(size / r))
        hs = np.round(ws * r)
        for s in scales:
            w = ws * s
            h = hs * s
            rows.append([x_ctr - 0.5 * (w - 1.0), y_ctr - 0.5 * (h - 1.0),
                         x_ctr + 0.5 * (w - 1.0), y_ctr + 0.5 * (h - 1.0)])
    base = np.asarray(rows, dtype=np.float32)
    shift_x = np.arange(feature_w, dtype=np.float32) * _STRIDE
    shift_y = np.arange(feature_h, dtype=np.float32) * _STRIDE
    sx, sy = np.meshgrid(shift_x, shift_y)
    shifts = np.stack([sx.ravel(), sy.ravel(), sx.ravel(), sy.ravel()],
                      axis=1).astype(np.float32)
    return (shifts[:, None, :] + base[None, :, :]).reshape(-1, 4)


def _decode_body(sc_ref, dx_ref, dy_ref, dw_ref, dh_ref,
                 ax1_ref, ay1_ref, ax2_ref, ay2_ref, h_ref, w_ref,
                 x1_o, y1_o, x2_o, y2_o, msc_o, key_s):
    B, N = sc_ref.shape
    iota = lax.broadcasted_iota(jnp.int32, (B, N), 1)

    ax1 = ax1_ref[...]
    ay1 = ay1_ref[...]
    ax2 = ax2_ref[...]
    ay2 = ay2_ref[...]
    aw = ax2 - ax1 + 1.0
    ah = ay2 - ay1 + 1.0
    acx = ax1 + 0.5 * aw
    acy = ay1 + 0.5 * ah
    pcx = dx_ref[...] * aw + acx
    pcy = dy_ref[...] * ah + acy
    pw = jnp.exp(dw_ref[...]) * aw
    ph = jnp.exp(dh_ref[...]) * ah
    px1 = pcx - 0.5 * pw
    py1 = pcy - 0.5 * ph
    px2 = pcx + 0.5 * pw
    py2 = pcy + 0.5 * ph
    hh = h_ref[...]
    ww = w_ref[...]
    x1_o[...] = jnp.clip(px1, 0.0, ww - 1.0)
    y1_o[...] = jnp.clip(py1, 0.0, hh - 1.0)
    x2_o[...] = jnp.clip(px2, 0.0, ww - 1.0)
    y2_o[...] = jnp.clip(py2, 0.0, hh - 1.0)

    sc = sc_ref[...]
    bits = lax.bitcast_convert_type(sc, jnp.int32)
    key_s[...] = jnp.where(bits < 0, bits ^ jnp.int32(0x7FFFFFFF), bits)
    min32 = jnp.int32(-2147483648)

    def bs_val(i, u):
        b = 31 - i
        cand_u = u | jnp.left_shift(jnp.int32(1), b)
        thr = min32 + cand_u
        cnt = jnp.sum((key_s[...] >= thr).astype(jnp.int32),
                      axis=1, keepdims=True)
        return jnp.where(cnt >= _PRE, cand_u, u)

    u = lax.fori_loop(0, 32, bs_val, jnp.zeros((B, 1), jnp.int32))
    t6 = min32 + u

    keyv = key_s[...]
    cnt_gt = jnp.sum((keyv > t6).astype(jnp.int32), axis=1, keepdims=True)
    quota = _PRE - cnt_gt

    def bs_idx(i, lohi):
        lo, hi = lohi
        mid = (lo + hi) >> 1
        g = jnp.sum(((key_s[...] == t6) & (iota <= mid)).astype(jnp.int32),
                    axis=1, keepdims=True)
        ok = g >= quota
        return jnp.where(ok, lo, mid + 1), jnp.where(ok, mid, hi)

    lo0 = jnp.zeros((B, 1), jnp.int32)
    hi0 = jnp.full((B, 1), N - 1, jnp.int32)
    _, bound = lax.fori_loop(0, 17, bs_idx, (lo0, hi0))

    sel = (keyv > t6) | ((keyv == t6) & (iota <= bound))
    msc_o[...] = jnp.where(sel, sc, jnp.float32(_NEG))


def _lane_prefix_body(msc_ref, pfx_o, tot_o):
    sel = jnp.where(msc_ref[...] > jnp.float32(_VALID_TH),
                    jnp.float32(1.0), jnp.float32(0.0))
    r = lax.broadcasted_iota(jnp.int32, (128, 128), 0)
    c = lax.broadcasted_iota(jnp.int32, (128, 128), 1)
    tri = jnp.where(r < c, jnp.float32(1.0), jnp.float32(0.0))
    pfx_o[...] = lax.dot_general(sel, tri, (((1,), (0,)), ((), ())),
                                 preferred_element_type=jnp.float32)
    tot_o[...] = jnp.sum(sel, axis=1, keepdims=True)


def _chunk_prefix_body(tot_ref, cp_o):
    r = lax.broadcasted_iota(jnp.int32, (_NC, _NC), 0)
    c = lax.broadcasted_iota(jnp.int32, (_NC, _NC), 1)
    tri = jnp.where(r < c, jnp.float32(1.0), jnp.float32(0.0))
    cp_o[...] = lax.dot_general(tot_ref[...], tri, (((1,), (0,)), ((), ())),
                                preferred_element_type=jnp.float32)


def _dest_body(msc_ref, pfx_ref, cp_ref, dest_o):
    sel = msc_ref[...] > jnp.float32(_VALID_TH)
    pos = (cp_ref[...] + pfx_ref[...]).astype(jnp.int32)
    rowbase = (lax.broadcasted_iota(jnp.int32, (_NR, 1), 0) // _NC) * _M
    lane = lax.broadcasted_iota(jnp.int32, (_NR, 128), 1)
    dump = jnp.int32(_DUMP) + (lane & 63)
    dest_o[...] = jnp.where(sel, rowbase + pos, dump)


def _scatter_body(x1h, y1h, x2h, y2h, msch, desth,
                  ox1, oy1, ox2, oy2, omsc,
                  x1v, y1v, x2v, y2v, mscv, destv, sem):
    c = lax.axis_index("c")
    s = lax.axis_index("s")
    w = (c * 2 + s // _NSUB) * _NSUB + s % _NSUB

    srcs = (x1v, y1v, x2v, y2v, mscv)
    hbms = (x1h, y1h, x2h, y2h, msch)
    outs = (ox1, oy1, ox2, oy2, omsc)
    for hv, vv in zip(hbms, srcs):
        pltpu.sync_copy(hv.at[w], vv)
    pltpu.sync_copy(desth.at[w], destv)

    for st in range(5):
        def sbody(j, _, _src=srcs[st], _out=outs[st]):
            pltpu.make_async_copy(
                _src.at[j], _out.at[destv.at[j]], sem).start()
            return 0

        lax.fori_loop(0, _NJ, sbody, 0)
    for st in range(5):
        pltpu.make_async_copy(hbms[st].at[w], srcs[st], sem).wait()


def _nms_body(x1_ref, y1_ref, x2_ref, y2_ref, mscin_ref,
              out_ref, ar_s, msc_s):
    B, M = mscin_ref.shape
    iota = lax.broadcasted_iota(jnp.int32, (B, M), 1)
    x1 = x1_ref[...]
    y1 = y1_ref[...]
    x2 = x2_ref[...]
    y2 = y2_ref[...]
    ar_s[...] = (x2 - x1 + 1.0) * (y2 - y1 + 1.0)
    msc_s[...] = jnp.where(iota < _PRE, mscin_ref[...], jnp.float32(_NEG))
    bcol = lax.broadcasted_iota(jnp.int32, (B, 1), 0).astype(jnp.float32)

    def nms(i, _):
        msc = msc_s[...]
        m = jnp.max(msc, axis=1, keepdims=True)
        idx = jnp.min(jnp.where(msc == m, iota, jnp.int32(M)),
                      axis=1, keepdims=True)
        selm = iota == idx
        x1 = x1_ref[...]
        y1 = y1_ref[...]
        x2 = x2_ref[...]
        y2 = y2_ref[...]
        fill = jnp.float32(-3.0e38)
        cx1 = jnp.max(jnp.where(selm, x1, fill), axis=1, keepdims=True)
        cy1 = jnp.max(jnp.where(selm, y1, fill), axis=1, keepdims=True)
        cx2 = jnp.max(jnp.where(selm, x2, fill), axis=1, keepdims=True)
        cy2 = jnp.max(jnp.where(selm, y2, fill), axis=1, keepdims=True)
        carea = (cx2 - cx1 + 1.0) * (cy2 - cy1 + 1.0)
        valid = (m > jnp.float32(_NEG * 0.5)).astype(jnp.float32)
        xx1 = jnp.maximum(cx1, x1)
        yy1 = jnp.maximum(cy1, y1)
        xx2 = jnp.minimum(cx2, x2)
        yy2 = jnp.minimum(cy2, y2)
        iw = jnp.maximum(xx2 - xx1 + 1.0, 0.0)
        ih = jnp.maximum(yy2 - yy1 + 1.0, 0.0)
        inter = iw * ih
        iou = inter / (carea + ar_s[...] - inter)
        msc_s[...] = jnp.where((iou > _THRESH) | selm, jnp.float32(_NEG), msc)
        row = jnp.concatenate(
            [bcol, cx1 * valid, cy1 * valid, cx2 * valid, cy2 * valid], axis=1)
        out_ref[i, :, :] = row
        return 0

    lax.fori_loop(0, _POST, nms, 0)


def kernel(scores_raw, bbox_deltas, im_info):
    B = scores_raw.shape[0]
    H, W = scores_raw.shape[2], scores_raw.shape[3]
    N = H * W * _A
    f32 = jnp.float32

    sc = jnp.transpose(scores_raw[:, _A:], (0, 2, 3, 1)).reshape(B, N)
    d = jnp.transpose(bbox_deltas, (0, 2, 3, 1)).reshape(B, N, 4)
    dx, dy, dw, dh = d[..., 0], d[..., 1], d[..., 2], d[..., 3]

    anch = _host_anchors(H, W)
    ax1 = jnp.asarray(anch[:, 0]).reshape(1, N)
    ay1 = jnp.asarray(anch[:, 1]).reshape(1, N)
    ax2 = jnp.asarray(anch[:, 2]).reshape(1, N)
    ay2 = jnp.asarray(anch[:, 3]).reshape(1, N)
    hcol = im_info[:, 0:1].astype(f32)
    wcol = im_info[:, 1:2].astype(f32)

    x1f, y1f, x2f, y2f, mscf = pl.pallas_call(
        _decode_body,
        out_shape=[jax.ShapeDtypeStruct((B, N), f32)] * 5,
        in_specs=[pl.BlockSpec(memory_space=pltpu.VMEM)] * 11,
        out_specs=[pl.BlockSpec(memory_space=pltpu.VMEM)] * 5,
        scratch_shapes=[pltpu.VMEM((B, N), jnp.int32)],
    )(sc, dx, dy, dw, dh, ax1, ay1, ax2, ay2, hcol, wcol)

    msc2 = mscf.reshape(_NR, 128)
    pfx, tot = pl.pallas_call(
        _lane_prefix_body,
        out_shape=[jax.ShapeDtypeStruct((_NR, 128), f32),
                   jax.ShapeDtypeStruct((_NR, 1), f32)],
        in_specs=[pl.BlockSpec(memory_space=pltpu.VMEM)],
        out_specs=[pl.BlockSpec(memory_space=pltpu.VMEM)] * 2,
    )(msc2)

    cp = pl.pallas_call(
        _chunk_prefix_body,
        out_shape=jax.ShapeDtypeStruct((B, _NC), f32),
        in_specs=[pl.BlockSpec(memory_space=pltpu.VMEM)],
        out_specs=pl.BlockSpec(memory_space=pltpu.VMEM),
    )(tot.reshape(B, _NC))

    dest = pl.pallas_call(
        _dest_body,
        out_shape=jax.ShapeDtypeStruct((_NR, 128), jnp.int32),
        in_specs=[pl.BlockSpec(memory_space=pltpu.VMEM)] * 3,
        out_specs=pl.BlockSpec(memory_space=pltpu.VMEM),
    )(msc2, pfx, cp.reshape(_NR, 1))

    mesh = plsc.VectorSubcoreMesh(core_axis_name="c", subcore_axis_name="s")
    scatter = functools.partial(
        pl.kernel,
        out_type=[jax.ShapeDtypeStruct((_OUTN,), f32)] * 5,
        mesh=mesh,
        scratch_types=[
            pltpu.VMEM((_NJ, 128), f32),
            pltpu.VMEM((_NJ, 128), f32),
            pltpu.VMEM((_NJ, 128), f32),
            pltpu.VMEM((_NJ, 128), f32),
            pltpu.VMEM((_NJ, 128), f32),
            pltpu.VMEM((_NJ, 128), jnp.int32),
            pltpu.SemaphoreType.DMA,
        ],
    )(_scatter_body)

    def slab(a):
        return a.reshape(_NW, _NJ, 128)

    cx1, cy1, cx2, cy2, cmsc = scatter(
        slab(x1f), slab(y1f), slab(x2f), slab(y2f), slab(mscf), slab(dest))

    def rows(a):
        return a[: B * _M].reshape(B, _M)

    out = pl.pallas_call(
        _nms_body,
        out_shape=jax.ShapeDtypeStruct((_POST, B, 5), f32),
        in_specs=[pl.BlockSpec(memory_space=pltpu.VMEM)] * 5,
        out_specs=pl.BlockSpec(memory_space=pltpu.VMEM),
        scratch_shapes=[
            pltpu.VMEM((B, _M), f32),
            pltpu.VMEM((B, _M), f32),
        ],
    )(rows(cx1), rows(cy1), rows(cx2), rows(cy2), rows(cmsc))
    return jnp.transpose(out, (1, 0, 2))

# --- scband reference (transcript-rebuilt; emitter-appended) ---
"""Pipeline reference for scband-proposal-layer-24498493456861 (READ-ONLY COPY).

The authoritative reference and input builder live on the scoring server;
editing this copy changes nothing except your own understanding.
"""

import jax, jax.numpy as jnp
import numpy as np

ANCHORS_PER_POINT = 9
FEAT_STRIDE = 16
PRE_NMS_TOP = 6000
POST_NMS_TOP = 300
NMS_THRESH = 0.7


def _base_anchors():
    base_size = 16.0
    ratios = np.array([0.5, 1.0, 2.0])
    scales = np.array([8.0, 16.0, 32.0])
    x_ctr = (base_size - 1.0) / 2.0
    y_ctr = (base_size - 1.0) / 2.0
    size = base_size * base_size
    anchors = []
    for r in ratios:
        ws = np.round(np.sqrt(size / r))
        hs = np.round(ws * r)
        for s in scales:
            w = ws * s
            h = hs * s
            anchors.append([x_ctr - 0.5 * (w - 1.0), y_ctr - 0.5 * (h - 1.0), x_ctr + 0.5 * (w - 1.0), y_ctr + 0.5 * (h - 1.0)])
    return np.asarray(anchors, dtype=np.float32)


def generate(feature_h, feature_w):
    base = _base_anchors()
    shift_x = np.arange(feature_w, dtype=np.float32) * FEAT_STRIDE
    shift_y = np.arange(feature_h, dtype=np.float32) * FEAT_STRIDE
    sx, sy = np.meshgrid(shift_x, shift_y)
    shifts = np.stack([sx.ravel(), sy.ravel(), sx.ravel(), sy.ravel()], axis=1).astype(np.float32)
    all_anchors = (shifts[:, None, :] + base[None, :, :]).reshape(-1, 4)
    return jnp.asarray(all_anchors)


def bbox_transform_inv(anchors, deltas):
    widths = anchors[..., 2] - anchors[..., 0] + 1.0
    heights = anchors[..., 3] - anchors[..., 1] + 1.0
    ctr_x = anchors[..., 0] + 0.5 * widths
    ctr_y = anchors[..., 1] + 0.5 * heights
    dx, dy, dw, dh = deltas[..., 0], deltas[..., 1], deltas[..., 2], deltas[..., 3]
    pred_ctr_x = dx * widths + ctr_x
    pred_ctr_y = dy * heights + ctr_y
    pred_w = jnp.exp(dw) * widths
    pred_h = jnp.exp(dh) * heights
    return jnp.stack([pred_ctr_x - 0.5 * pred_w, pred_ctr_y - 0.5 * pred_h, pred_ctr_x + 0.5 * pred_w, pred_ctr_y + 0.5 * pred_h], axis=-1)


def clip_boxes(boxes, im_info):
    h = im_info[:, 0][:, None]
    w = im_info[:, 1][:, None]
    x1 = jnp.clip(boxes[..., 0], 0.0, w - 1.0)
    y1 = jnp.clip(boxes[..., 1], 0.0, h - 1.0)
    x2 = jnp.clip(boxes[..., 2], 0.0, w - 1.0)
    y2 = jnp.clip(boxes[..., 3], 0.0, h - 1.0)
    return jnp.stack([x1, y1, x2, y2], axis=-1)


def nms_fixed(boxes, scores, thresh, max_out):
    x1, y1, x2, y2 = boxes[:, 0], boxes[:, 1], boxes[:, 2], boxes[:, 3]
    areas = (x2 - x1 + 1.0) * (y2 - y1 + 1.0)
    neg_inf = jnp.float32(-1e30)

    def body(i, state):
        sc, keep, valid = state
        idx = jnp.argmax(sc)
        ok = sc[idx] > neg_inf * 0.5
        keep = keep.at[i].set(idx.astype(jnp.int32))
        valid = valid.at[i].set(ok)
        xx1 = jnp.maximum(x1[idx], x1)
        yy1 = jnp.maximum(y1[idx], y1)
        xx2 = jnp.minimum(x2[idx], x2)
        yy2 = jnp.minimum(y2[idx], y2)
        iw = jnp.maximum(xx2 - xx1 + 1.0, 0.0)
        ih = jnp.maximum(yy2 - yy1 + 1.0, 0.0)
        inter = iw * ih
        iou = inter / (areas[idx] + areas - inter)
        sc = jnp.where(iou > thresh, neg_inf, sc)
        sc = sc.at[idx].set(neg_inf)
        return sc, keep, valid

    keep0 = jnp.zeros((max_out,), jnp.int32)
    valid0 = jnp.zeros((max_out,), dtype=bool)
    _, keep, valid = jax.lax.fori_loop(0, max_out, body, (scores, keep0, valid0))
    return keep, valid


def setup_inputs(seed: int = 0):
    key = jax.random.key(seed)
    k1, k2 = jax.random.split(key)
    B, A, H, W = 4, ANCHORS_PER_POINT, 64, 64
    scores_raw = jax.random.normal(k1, (B, 2 * A, H, W), dtype=jnp.float32)
    bbox_deltas = jax.random.normal(k2, (B, 4 * A, H, W), dtype=jnp.float32) * 0.2
    im_info = jnp.ones((B, 3), dtype=jnp.float32) * jnp.array([1024.0, 1024.0, 1.0], dtype=jnp.float32)
    return {"scores_raw": scores_raw, "bbox_deltas": bbox_deltas, "im_info": im_info}


def reference(scores_raw, bbox_deltas, im_info):
    A = ANCHORS_PER_POINT
    scores = scores_raw[:, A:, :, :]
    B = bbox_deltas.shape[0]
    H, W = scores.shape[2], scores.shape[3]
    anchors = generate(H, W)
    anchors = jnp.broadcast_to(anchors[None, :, :], (B, anchors.shape[0], 4)).astype(bbox_deltas.dtype)
    deltas = jnp.transpose(bbox_deltas, (0, 2, 3, 1)).reshape(B, -1, 4)
    sc = jnp.transpose(scores, (0, 2, 3, 1)).reshape(B, -1)
    proposals = bbox_transform_inv(anchors, deltas)
    proposals = clip_boxes(proposals, im_info)
    order = jnp.argsort(-sc, axis=1)
    rows = []
    for i in range(B):
        ord_i = order[i][:PRE_NMS_TOP]
        props_i = proposals[i][ord_i]
        sc_i = sc[i][ord_i]
        keep, valid = nms_fixed(jax.lax.stop_gradient(props_i), jax.lax.stop_gradient(sc_i), NMS_THRESH, POST_NMS_TOP)
        props_k = props_i[keep] * valid.astype(props_i.dtype)[:, None]
        row = jnp.concatenate([jnp.full((POST_NMS_TOP, 1), float(i), dtype=props_i.dtype), props_k], axis=1)
        rows.append(row)
    return jnp.stack(rows, axis=0)

if __name__ == "__main__":
    import jax
    _d = setup_inputs()
    print(jax.jit(kernel)(*tuple(_d.values())))

</pallas_src>

<mosaic_0001>
#map = affine_map<(d0, d1) -> (0, 0, 0)>
#map1 = affine_map<(d0, d1) -> (0)>
module attributes {stable_mosaic.version = 14 : i64} {
  func.func @_scatter_body(%arg0: i32, %arg1: i32, %arg2: memref<32x36x128xf32, #tpu.memory_space<hbm>>, %arg3: memref<32x36x128xf32, #tpu.memory_space<hbm>>, %arg4: memref<32x36x128xf32, #tpu.memory_space<hbm>>, %arg5: memref<32x36x128xf32, #tpu.memory_space<hbm>>, %arg6: memref<32x36x128xf32, #tpu.memory_space<hbm>>, %arg7: memref<32x36x128xi32, #tpu.memory_space<hbm>>, %arg8: memref<24640xf32, #tpu.memory_space<hbm>>, %arg9: memref<24640xf32, #tpu.memory_space<hbm>>, %arg10: memref<24640xf32, #tpu.memory_space<hbm>>, %arg11: memref<24640xf32, #tpu.memory_space<hbm>>, %arg12: memref<24640xf32, #tpu.memory_space<hbm>>, %arg13: memref<36x128xf32, #tpu.memory_space<vmem>>, %arg14: memref<36x128xf32, #tpu.memory_space<vmem>>, %arg15: memref<36x128xf32, #tpu.memory_space<vmem>>, %arg16: memref<36x128xf32, #tpu.memory_space<vmem>>, %arg17: memref<36x128xf32, #tpu.memory_space<vmem>>, %arg18: memref<36x128xi32, #tpu.memory_space<vmem>>, %arg19: memref<!tpu.dma_semaphore, #tpu.memory_space<semaphore_mem>>) attributes {dimension_semantics = [#tpu.dimension_semantics<core_parallel>, #tpu.dimension_semantics<subcore_parallel>], iteration_bounds = array<i64: 2, 16>, scalar_prefetch = 0 : i64, scratch_operands = 7 : i64, tpu.core_type = #tpu.core_type<sc_vector_subcore>, window_params = [{transform_indices = #map}, {transform_indices = #map}, {transform_indices = #map}, {transform_indices = #map}, {transform_indices = #map}, {transform_indices = #map}, {transform_indices = #map1}, {transform_indices = #map1}, {transform_indices = #map1}, {transform_indices = #map1}, {transform_indices = #map1}]} {
    %mul3A = arith.constant 2 : i32
    %mul3A_0 = arith.muli %arg0, %mul3A : i32
    %jit3A = arith.constant 8 : i32
    %div3A = arith.divsi %arg1, %jit3A : i32
    %sign3A = arith.constant 0 : i32
    %sign3A_1 = arith.cmpi sgt, %arg1, %sign3A : i32
    %sign3A_2 = arith.extui %sign3A_1 : i1 to i32
    %sign3A_3 = arith.constant 0 : i32
    %sign3A_4 = arith.cmpi slt, %arg1, %sign3A_3 : i32
    %sign3A_5 = arith.extui %sign3A_4 : i1 to i32
    %sign3A_6 = arith.subi %sign3A_2, %sign3A_5 : i32
    %sign3A_7 = arith.constant 0 : i32
    %sign3A_8 = arith.cmpi sgt, %jit3A, %sign3A_7 : i32
    %sign3A_9 = arith.extui %sign3A_8 : i1 to i32
    %sign3A_10 = arith.constant 0 : i32
    %sign3A_11 = arith.cmpi slt, %jit3A, %sign3A_10 : i32
    %sign3A_12 = arith.extui %sign3A_11 : i1 to i32
    %sign3A_13 = arith.subi %sign3A_9, %sign3A_12 : i32
    %ne3A = arith.cmpi ne, %sign3A_6, %sign3A_13 : i32
    %rem3A = arith.remsi %arg1, %jit3A : i32
    %ne3A_14 = arith.constant 0 : i32
    %ne3A_15 = arith.cmpi ne, %rem3A, %ne3A_14 : i32
    %and3A = arith.andi %ne3A, %ne3A_15 : i1
    %sub3A = arith.constant 1 : i32
    %sub3A_16 = arith.subi %div3A, %sub3A : i32
    %select_n3A = arith.select %and3A, %sub3A_16, %div3A : i32
    %add3A = arith.addi %mul3A_0, %select_n3A : i32
    %mul3A_17 = arith.constant 8 : i32
    %mul3A_18 = arith.muli %add3A, %mul3A_17 : i32
    %jit3A_19 = arith.constant 8 : i32
    %eq3A = arith.constant 0 : i32
    %eq3A_20 = arith.cmpi eq, %jit3A_19, %eq3A : i32
    %jit3A_21 = arith.constant 1 : i32
    %select_n3A_22 = arith.select %eq3A_20, %jit3A_21, %jit3A_19 : i32
    %rem3A_23 = arith.remsi %arg1, %select_n3A_22 : i32
    %ne3A_24 = arith.constant 0 : i32
    %ne3A_25 = arith.cmpi ne, %rem3A_23, %ne3A_24 : i32
    %lt3A = arith.constant 0 : i32
    %lt3A_26 = arith.cmpi slt, %rem3A_23, %lt3A : i32
    %lt3A_27 = arith.constant 0 : i32
    %lt3A_28 = arith.cmpi slt, %select_n3A_22, %lt3A_27 : i32
    %ne3A_29 = arith.xori %lt3A_26, %lt3A_28 : i1
    %and3A_30 = arith.andi %ne3A_29, %ne3A_25 : i1
    %add3A_31 = arith.addi %rem3A_23, %select_n3A_22 : i32
    %select_n3A_32 = arith.select %and3A_30, %add3A_31, %rem3A_23 : i32
    %add3A_33 = arith.addi %mul3A_18, %select_n3A_32 : i32
    "tpu.region"() ({
      %run_scoped3A = tpu.sem_alloc : memref<!tpu.dma_semaphore, #tpu.memory_space<semaphore_mem>>
      %dma_start3A = arith.constant 0 : i32
      %dma_start3A_107 = arith.constant 0 : i32
      %dma_start3A_108 = tpu.memref_slice %arg2[%add3A_33, %dma_start3A, %dma_start3A_107] : memref<32x36x128xf32, #tpu.memory_space<hbm>> -> memref<1x36x128xf32, #tpu.memory_space<hbm>>
      %dma_start3A_109 = tpu.memref_squeeze %dma_start3A_108 : memref<1x36x128xf32, #tpu.memory_space<hbm>> -> memref<36x128xf32, #tpu.memory_space<hbm>>
      %dma_start3A_110 = arith.constant 0 : i32
      %dma_start3A_111 = arith.constant 0 : i32
      %dma_start3A_112 = tpu.memref_slice %arg2[%add3A_33, %dma_start3A_110, %dma_start3A_111] : memref<32x36x128xf32, #tpu.memory_space<hbm>> -> memref<1x36x128xf32, #tpu.memory_space<hbm>>
      %dma_start3A_113 = tpu.memref_squeeze %dma_start3A_112 : memref<1x36x128xf32, #tpu.memory_space<hbm>> -> memref<36x128xf32, #tpu.memory_space<hbm>>
      tpu.enqueue_dma source(%dma_start3A_113 : memref<36x128xf32, #tpu.memory_space<hbm>>) target(%arg13 : memref<36x128xf32, #tpu.memory_space<vmem>>) target_semaphore(%run_scoped3A : memref<!tpu.dma_semaphore, #tpu.memory_space<semaphore_mem>>)
      %dma_wait3A_114 = arith.constant 0 : i32
      %dma_wait3A_115 = arith.constant 0 : i32
      %dma_wait3A_116 = tpu.memref_slice %arg2[%add3A_33, %dma_wait3A_114, %dma_wait3A_115] : memref<32x36x128xf32, #tpu.memory_space<hbm>> -> memref<1x36x128xf32, #tpu.memory_space<hbm>>
      %dma_wait3A_117 = tpu.memref_squeeze %dma_wait3A_116 : memref<1x36x128xf32, #tpu.memory_space<hbm>> -> memref<36x128xf32, #tpu.memory_space<hbm>>
      %dma_wait3A_118 = arith.constant 0 : i32
      %dma_wait3A_119 = arith.constant 0 : i32
      %dma_wait3A_120 = tpu.memref_slice %arg2[%add3A_33, %dma_wait3A_118, %dma_wait3A_119] : memref<32x36x128xf32, #tpu.memory_space<hbm>> -> memref<1x36x128xf32, #tpu.memory_space<hbm>>
      %dma_wait3A_121 = tpu.memref_squeeze %dma_wait3A_120 : memref<1x36x128xf32, #tpu.memory_space<hbm>> -> memref<36x128xf32, #tpu.memory_space<hbm>>
      tpu.wait_dma2 semaphore(%run_scoped3A : memref<!tpu.dma_semaphore, #tpu.memory_space<semaphore_mem>>) src(%dma_wait3A_121 : memref<36x128xf32, #tpu.memory_space<hbm>>) dst(%arg13 : memref<36x128xf32, #tpu.memory_space<vmem>>)
      tpu.yield
    }) : () -> ()
    "tpu.region"() ({
      %run_scoped3A = tpu.sem_alloc : memref<!tpu.dma_semaphore, #tpu.memory_space<semaphore_mem>>
      %dma_start3A = arith.constant 0 : i32
      %dma_start3A_107 = arith.constant 0 : i32
      %dma_start3A_108 = tpu.memref_slice %arg3[%add3A_33, %dma_start3A, %dma_start3A_107] : memref<32x36x128xf32, #tpu.memory_space<hbm>> -> memref<1x36x128xf32, #tpu.memory_space<hbm>>
      %dma_start3A_109 = tpu.memref_squeeze %dma_start3A_108 : memref<1x36x128xf32, #tpu.memory_space<hbm>> -> memref<36x128xf32, #tpu.memory_space<hbm>>
      %dma_start3A_110 = arith.constant 0 : i32
      %dma_start3A_111 = arith.constant 0 : i32
      %dma_start3A_112 = tpu.memref_slice %arg3[%add3A_33, %dma_start3A_110, %dma_start3A_111] : memref<32x36x128xf32, #tpu.memory_space<hbm>> -> memref<1x36x128xf32, #tpu.memory_space<hbm>>
      %dma_start3A_113 = tpu.memref_squeeze %dma_start3A_112 : memref<1x36x128xf32, #tpu.memory_space<hbm>> -> memref<36x128xf32, #tpu.memory_space<hbm>>
      tpu.enqueue_dma source(%dma_start3A_113 : memref<36x128xf32, #tpu.memory_space<hbm>>) target(%arg14 : memref<36x128xf32, #tpu.memory_space<vmem>>) target_semaphore(%run_scoped3A : memref<!tpu.dma_semaphore, #tpu.memory_space<semaphore_mem>>)
      %dma_wait3A_114 = arith.constant 0 : i32
      %dma_wait3A_115 = arith.constant 0 : i32
      %dma_wait3A_116 = tpu.memref_slice %arg3[%add3A_33, %dma_wait3A_114, %dma_wait3A_115] : memref<32x36x128xf32, #tpu.memory_space<hbm>> -> memref<1x36x128xf32, #tpu.memory_space<hbm>>
      %dma_wait3A_117 = tpu.memref_squeeze %dma_wait3A_116 : memref<1x36x128xf32, #tpu.memory_space<hbm>> -> memref<36x128xf32, #tpu.memory_space<hbm>>
      %dma_wait3A_118 = arith.constant 0 : i32
      %dma_wait3A_119 = arith.constant 0 : i32
      %dma_wait3A_120 = tpu.memref_slice %arg3[%add3A_33, %dma_wait3A_118, %dma_wait3A_119] : memref<32x36x128xf32, #tpu.memory_space<hbm>> -> memref<1x36x128xf32, #tpu.memory_space<hbm>>
      %dma_wait3A_121 = tpu.memref_squeeze %dma_wait3A_120 : memref<1x36x128xf32, #tpu.memory_space<hbm>> -> memref<36x128xf32, #tpu.memory_space<hbm>>
      tpu.wait_dma2 semaphore(%run_scoped3A : memref<!tpu.dma_semaphore, #tpu.memory_space<semaphore_mem>>) src(%dma_wait3A_121 : memref<36x128xf32, #tpu.memory_space<hbm>>) dst(%arg14 : memref<36x128xf32, #tpu.memory_space<vmem>>)
      tpu.yield
    }) : () -> ()
    "tpu.region"() ({
      %run_scoped3A = tpu.sem_alloc : memref<!tpu.dma_semaphore, #tpu.memory_space<semaphore_mem>>
      %dma_start3A = arith.constant 0 : i32
      %dma_start3A_107 = arith.constant 0 : i32
      %dma_start3A_108 = tpu.memref_slice %arg4[%add3A_33, %dma_start3A, %dma_start3A_107] : memref<32x36x128xf32, #tpu.memory_space<hbm>> -> memref<1x36x128xf32, #tpu.memory_space<hbm>>
      %dma_start3A_109 = tpu.memref_squeeze %dma_start3A_108 : memref<1x36x128xf32, #tpu.memory_space<hbm>> -> memref<36x128xf32, #tpu.memory_space<hbm>>
      %dma_start3A_110 = arith.constant 0 : i32
      %dma_start3A_111 = arith.constant 0 : i32
      %dma_start3A_112 = tpu.memref_slice %arg4[%add3A_33, %dma_start3A_110, %dma_start3A_111] : memref<32x36x128xf32, #tpu.memory_space<hbm>> -> memref<1x36x128xf32, #tpu.memory_space<hbm>>
      %dma_start3A_113 = tpu.memref_squeeze %dma_start3A_112 : memref<1x36x128xf32, #tpu.memory_space<hbm>> -> memref<36x128xf32, #tpu.memory_space<hbm>>
      tpu.enqueue_dma source(%dma_start3A_113 : memref<36x128xf32, #tpu.memory_space<hbm>>) target(%arg15 : memref<36x128xf32, #tpu.memory_space<vmem>>) target_semaphore(%run_scoped3A : memref<!tpu.dma_semaphore, #tpu.memory_space<semaphore_mem>>)
      %dma_wait3A_114 = arith.constant 0 : i32
      %dma_wait3A_115 = arith.constant 0 : i32
      %dma_wait3A_116 = tpu.memref_slice %arg4[%add3A_33, %dma_wait3A_114, %dma_wait3A_115] : memref<32x36x128xf32, #tpu.memory_space<hbm>> -> memref<1x36x128xf32, #tpu.memory_space<hbm>>
      %dma_wait3A_117 = tpu.memref_squeeze %dma_wait3A_116 : memref<1x36x128xf32, #tpu.memory_space<hbm>> -> memref<36x128xf32, #tpu.memory_space<hbm>>
      %dma_wait3A_118 = arith.constant 0 : i32
      %dma_wait3A_119 = arith.constant 0 : i32
      %dma_wait3A_120 = tpu.memref_slice %arg4[%add3A_33, %dma_wait3A_118, %dma_wait3A_119] : memref<32x36x128xf32, #tpu.memory_space<hbm>> -> memref<1x36x128xf32, #tpu.memory_space<hbm>>
      %dma_wait3A_121 = tpu.memref_squeeze %dma_wait3A_120 : memref<1x36x128xf32, #tpu.memory_space<hbm>> -> memref<36x128xf32, #tpu.memory_space<hbm>>
      tpu.wait_dma2 semaphore(%run_scoped3A : memref<!tpu.dma_semaphore, #tpu.memory_space<semaphore_mem>>) src(%dma_wait3A_121 : memref<36x128xf32, #tpu.memory_space<hbm>>) dst(%arg15 : memref<36x128xf32, #tpu.memory_space<vmem>>)
      tpu.yield
    }) : () -> ()
    "tpu.region"() ({
      %run_scoped3A = tpu.sem_alloc : memref<!tpu.dma_semaphore, #tpu.memory_space<semaphore_mem>>
      %dma_start3A = arith.constant 0 : i32
      %dma_start3A_107 = arith.constant 0 : i32
      %dma_start3A_108 = tpu.memref_slice %arg5[%add3A_33, %dma_start3A, %dma_start3A_107] : memref<32x36x128xf32, #tpu.memory_space<hbm>> -> memref<1x36x128xf32, #tpu.memory_space<hbm>>
      %dma_start3A_109 = tpu.memref_squeeze %dma_start3A_108 : memref<1x36x128xf32, #tpu.memory_space<hbm>> -> memref<36x128xf32, #tpu.memory_space<hbm>>
      %dma_start3A_110 = arith.constant 0 : i32
      %dma_start3A_111 = arith.constant 0 : i32
      %dma_start3A_112 = tpu.memref_slice %arg5[%add3A_33, %dma_start3A_110, %dma_start3A_111] : memref<32x36x128xf32, #tpu.memory_space<hbm>> -> memref<1x36x128xf32, #tpu.memory_space<hbm>>
      %dma_start3A_113 = tpu.memref_squeeze %dma_start3A_112 : memref<1x36x128xf32, #tpu.memory_space<hbm>> -> memref<36x128xf32, #tpu.memory_space<hbm>>
      tpu.enqueue_dma source(%dma_start3A_113 : memref<36x128xf32, #tpu.memory_space<hbm>>) target(%arg16 : memref<36x128xf32, #tpu.memory_space<vmem>>) target_semaphore(%run_scoped3A : memref<!tpu.dma_semaphore, #tpu.memory_space<semaphore_mem>>)
      %dma_wait3A_114 = arith.constant 0 : i32
      %dma_wait3A_115 = arith.constant 0 : i32
      %dma_wait3A_116 = tpu.memref_slice %arg5[%add3A_33, %dma_wait3A_114, %dma_wait3A_115] : memref<32x36x128xf32, #tpu.memory_space<hbm>> -> memref<1x36x128xf32, #tpu.memory_space<hbm>>
      %dma_wait3A_117 = tpu.memref_squeeze %dma_wait3A_116 : memref<1x36x128xf32, #tpu.memory_space<hbm>> -> memref<36x128xf32, #tpu.memory_space<hbm>>
      %dma_wait3A_118 = arith.constant 0 : i32
      %dma_wait3A_119 = arith.constant 0 : i32
      %dma_wait3A_120 = tpu.memref_slice %arg5[%add3A_33, %dma_wait3A_118, %dma_wait3A_119] : memref<32x36x128xf32, #tpu.memory_space<hbm>> -> memref<1x36x128xf32, #tpu.memory_space<hbm>>
      %dma_wait3A_121 = tpu.memref_squeeze %dma_wait3A_120 : memref<1x36x128xf32, #tpu.memory_space<hbm>> -> memref<36x128xf32, #tpu.memory_space<hbm>>
      tpu.wait_dma2 semaphore(%run_scoped3A : memref<!tpu.dma_semaphore, #tpu.memory_space<semaphore_mem>>) src(%dma_wait3A_121 : memref<36x128xf32, #tpu.memory_space<hbm>>) dst(%arg16 : memref<36x128xf32, #tpu.memory_space<vmem>>)
      tpu.yield
    }) : () -> ()
    "tpu.region"() ({
      %run_scoped3A = tpu.sem_alloc : memref<!tpu.dma_semaphore, #tpu.memory_space<semaphore_mem>>
      %dma_start3A = arith.constant 0 : i32
      %dma_start3A_107 = arith.constant 0 : i32
      %dma_start3A_108 = tpu.memref_slice %arg6[%add3A_33, %dma_start3A, %dma_start3A_107] : memref<32x36x128xf32, #tpu.memory_space<hbm>> -> memref<1x36x128xf32, #tpu.memory_space<hbm>>
      %dma_start3A_109 = tpu.memref_squeeze %dma_start3A_108 : memref<1x36x128xf32, #tpu.memory_space<hbm>> -> memref<36x128xf32, #tpu.memory_space<hbm>>
      %dma_start3A_110 = arith.constant 0 : i32
      %dma_start3A_111 = arith.constant 0 : i32
      %dma_start3A_112 = tpu.memref_slice %arg6[%add3A_33, %dma_start3A_110, %dma_start3A_111] : memref<32x36x128xf32, #tpu.memory_space<hbm>> -> memref<1x36x128xf32, #tpu.memory_space<hbm>>
      %dma_start3A_113 = tpu.memref_squeeze %dma_start3A_112 : memref<1x36x128xf32, #tpu.memory_space<hbm>> -> memref<36x128xf32, #tpu.memory_space<hbm>>
      tpu.enqueue_dma source(%dma_start3A_113 : memref<36x128xf32, #tpu.memory_space<hbm>>) target(%arg17 : memref<36x128xf32, #tpu.memory_space<vmem>>) target_semaphore(%run_scoped3A : memref<!tpu.dma_semaphore, #tpu.memory_space<semaphore_mem>>)
      %dma_wait3A_114 = arith.constant 0 : i32
      %dma_wait3A_115 = arith.constant 0 : i32
      %dma_wait3A_116 = tpu.memref_slice %arg6[%add3A_33, %dma_wait3A_114, %dma_wait3A_115] : memref<32x36x128xf32, #tpu.memory_space<hbm>> -> memref<1x36x128xf32, #tpu.memory_space<hbm>>
      %dma_wait3A_117 = tpu.memref_squeeze %dma_wait3A_116 : memref<1x36x128xf32, #tpu.memory_space<hbm>> -> memref<36x128xf32, #tpu.memory_space<hbm>>
      %dma_wait3A_118 = arith.constant 0 : i32
      %dma_wait3A_119 = arith.constant 0 : i32
      %dma_wait3A_120 = tpu.memref_slice %arg6[%add3A_33, %dma_wait3A_118, %dma_wait3A_119] : memref<32x36x128xf32, #tpu.memory_space<hbm>> -> memref<1x36x128xf32, #tpu.memory_space<hbm>>
      %dma_wait3A_121 = tpu.memref_squeeze %dma_wait3A_120 : memref<1x36x128xf32, #tpu.memory_space<hbm>> -> memref<36x128xf32, #tpu.memory_space<hbm>>
      tpu.wait_dma2 semaphore(%run_scoped3A : memref<!tpu.dma_semaphore, #tpu.memory_space<semaphore_mem>>) src(%dma_wait3A_121 : memref<36x128xf32, #tpu.memory_space<hbm>>) dst(%arg17 : memref<36x128xf32, #tpu.memory_space<vmem>>)
      tpu.yield
    }) : () -> ()
    "tpu.region"() ({
      %run_scoped3A = tpu.sem_alloc : memref<!tpu.dma_semaphore, #tpu.memory_space<semaphore_mem>>
      %dma_start3A = arith.constant 0 : i32
      %dma_start3A_107 = arith.constant 0 : i32
      %dma_start3A_108 = tpu.memref_slice %arg7[%add3A_33, %dma_start3A, %dma_start3A_107] : memref<32x36x128xi32, #tpu.memory_space<hbm>> -> memref<1x36x128xi32, #tpu.memory_space<hbm>>
      %dma_start3A_109 = tpu.memref_squeeze %dma_start3A_108 : memref<1x36x128xi32, #tpu.memory_space<hbm>> -> memref<36x128xi32, #tpu.memory_space<hbm>>
      %dma_start3A_110 = arith.constant 0 : i32
      %dma_start3A_111 = arith.constant 0 : i32
      %dma_start3A_112 = tpu.memref_slice %arg7[%add3A_33, %dma_start3A_110, %dma_start3A_111] : memref<32x36x128xi32, #tpu.memory_space<hbm>> -> memref<1x36x128xi32, #tpu.memory_space<hbm>>
      %dma_start3A_113 = tpu.memref_squeeze %dma_start3A_112 : memref<1x36x128xi32, #tpu.memory_space<hbm>> -> memref<36x128xi32, #tpu.memory_space<hbm>>
      tpu.enqueue_dma source(%dma_start3A_113 : memref<36x128xi32, #tpu.memory_space<hbm>>) target(%arg18 : memref<36x128xi32, #tpu.memory_space<vmem>>) target_semaphore(%run_scoped3A : memref<!tpu.dma_semaphore, #tpu.memory_space<semaphore_mem>>)
      %dma_wait3A_114 = arith.constant 0 : i32
      %dma_wait3A_115 = arith.constant 0 : i32
      %dma_wait3A_116 = tpu.memref_slice %arg7[%add3A_33, %dma_wait3A_114, %dma_wait3A_115] : memref<32x36x128xi32, #tpu.memory_space<hbm>> -> memref<1x36x128xi32, #tpu.memory_space<hbm>>
      %dma_wait3A_117 = tpu.memref_squeeze %dma_wait3A_116 : memref<1x36x128xi32, #tpu.memory_space<hbm>> -> memref<36x128xi32, #tpu.memory_space<hbm>>
      %dma_wait3A_118 = arith.constant 0 : i32
      %dma_wait3A_119 = arith.constant 0 : i32
      %dma_wait3A_120 = tpu.memref_slice %arg7[%add3A_33, %dma_wait3A_118, %dma_wait3A_119] : memref<32x36x128xi32, #tpu.memory_space<hbm>> -> memref<1x36x128xi32, #tpu.memory_space<hbm>>
      %dma_wait3A_121 = tpu.memref_squeeze %dma_wait3A_120 : memref<1x36x128xi32, #tpu.memory_space<hbm>> -> memref<36x128xi32, #tpu.memory_space<hbm>>
      tpu.wait_dma2 semaphore(%run_scoped3A : memref<!tpu.dma_semaphore, #tpu.memory_space<semaphore_mem>>) src(%dma_wait3A_121 : memref<36x128xi32, #tpu.memory_space<hbm>>) dst(%arg18 : memref<36x128xi32, #tpu.memory_space<vmem>>)
      tpu.yield
    }) : () -> ()
    %scan3A = arith.constant 0 : i32
    %scan3A_34 = arith.constant 0 : i32
    %scan3A_35 = arith.constant 36 : i32
    %scan3A_36 = arith.addi %scan3A_34, %scan3A_35 : i32
    %scan3A_37 = arith.constant 1 : i32
    %scan3A_38 = scf.for %scan3A_107 = %scan3A_34 to %scan3A_36 step %scan3A_37 iter_args(%scan3A_108 = %scan3A) -> (i32)  : i32 {
      %dma_start3A = arith.constant 0 : i32
      %dma_start3A_109 = tpu.memref_slice %arg13[%scan3A_107, %dma_start3A] : memref<36x128xf32, #tpu.memory_space<vmem>> -> memref<1x128xf32, #tpu.memory_space<vmem>>
      %dma_start3A_110 = tpu.memref_squeeze %dma_start3A_109 : memref<1x128xf32, #tpu.memory_space<vmem>> -> memref<128xf32, #tpu.memory_space<vmem>>
      %dma_start3A_111 = arith.constant 0 : i32
      %dma_start3A_112 = tpu.memref_slice %arg18[%scan3A_107, %dma_start3A_111] : memref<36x128xi32, #tpu.memory_space<vmem>> -> memref<1x128xi32, #tpu.memory_space<vmem>>
      %dma_start3A_113 = tpu.memref_squeeze %dma_start3A_112 : memref<1x128xi32, #tpu.memory_space<vmem>> -> memref<128xi32, #tpu.memory_space<vmem>>
      %dma_start3A_114 = arith.constant 0 : i32
      %dma_start3A_115 = tpu.memref_slice %arg8[%dma_start3A_114] : memref<24640xf32, #tpu.memory_space<hbm>> -> memref<24640xf32, #tpu.memory_space<hbm>>
      tpu.enqueue_indirect_dma source(%dma_start3A_110 : memref<128xf32, #tpu.memory_space<vmem>>) target(%dma_start3A_115 : memref<24640xf32, #tpu.memory_space<hbm>>) offsets(%dma_start3A_113 : memref<128xi32, #tpu.memory_space<vmem>>) semaphore(%arg19 : memref<!tpu.dma_semaphore, #tpu.memory_space<semaphore_mem>>)
      %scan3A_116 = arith.constant 0 : i32
      scf.yield %scan3A_116 : i32
    }
    %scan3A_39 = arith.constant 36 : i32
    %scan3A_40 = arith.constant 0 : i32
    %scan3A_41 = arith.constant 0 : i32
    %scan3A_42 = arith.constant 36 : i32
    %scan3A_43 = arith.addi %scan3A_41, %scan3A_42 : i32
    %scan3A_44 = arith.constant 1 : i32
    %scan3A_45 = scf.for %scan3A_107 = %scan3A_41 to %scan3A_43 step %scan3A_44 iter_args(%scan3A_108 = %scan3A_40) -> (i32)  : i32 {
      %dma_start3A = arith.constant 0 : i32
      %dma_start3A_109 = tpu.memref_slice %arg14[%scan3A_107, %dma_start3A] : memref<36x128xf32, #tpu.memory_space<vmem>> -> memref<1x128xf32, #tpu.memory_space<vmem>>
      %dma_start3A_110 = tpu.memref_squeeze %dma_start3A_109 : memref<1x128xf32, #tpu.memory_space<vmem>> -> memref<128xf32, #tpu.memory_space<vmem>>
      %dma_start3A_111 = arith.constant 0 : i32
      %dma_start3A_112 = tpu.memref_slice %arg18[%scan3A_107, %dma_start3A_111] : memref<36x128xi32, #tpu.memory_space<vmem>> -> memref<1x128xi32, #tpu.memory_space<vmem>>
      %dma_start3A_113 = tpu.memref_squeeze %dma_start3A_112 : memref<1x128xi32, #tpu.memory_space<vmem>> -> memref<128xi32, #tpu.memory_space<vmem>>
      %dma_start3A_114 = arith.constant 0 : i32
      %dma_start3A_115 = tpu.memref_slice %arg9[%dma_start3A_114] : memref<24640xf32, #tpu.memory_space<hbm>> -> memref<24640xf32, #tpu.memory_space<hbm>>
      tpu.enqueue_indirect_dma source(%dma_start3A_110 : memref<128xf32, #tpu.memory_space<vmem>>) target(%dma_start3A_115 : memref<24640xf32, #tpu.memory_space<hbm>>) offsets(%dma_start3A_113 : memref<128xi32, #tpu.memory_space<vmem>>) semaphore(%arg19 : memref<!tpu.dma_semaphore, #tpu.memory_space<semaphore_mem>>)
      %scan3A_116 = arith.constant 0 : i32
      scf.yield %scan3A_116 : i32
    }
    %scan3A_46 = arith.constant 36 : i32
    %scan3A_47 = arith.constant 0 : i32
    %scan3A_48 = arith.constant 0 : i32
    %scan3A_49 = arith.constant 36 : i32
    %scan3A_50 = arith.addi %scan3A_48, %scan3A_49 : i32
    %scan3A_51 = arith.constant 1 : i32
    %scan3A_52 = scf.for %scan3A_107 = %scan3A_48 to %scan3A_50 step %scan3A_51 iter_args(%scan3A_108 = %scan3A_47) -> (i32)  : i32 {
      %dma_start3A = arith.constant 0 : i32
      %dma_start3A_109 = tpu.memref_slice %arg15[%scan3A_107, %dma_start3A] : memref<36x128xf32, #tpu.memory_space<vmem>> -> memref<1x128xf32, #tpu.memory_space<vmem>>
      %dma_start3A_110 = tpu.memref_squeeze %dma_start3A_109 : memref<1x128xf32, #tpu.memory_space<vmem>> -> memref<128xf32, #tpu.memory_space<vmem>>
      %dma_start3A_111 = arith.constant 0 : i32
      %dma_start3A_112 = tpu.memref_slice %arg18[%scan3A_107, %dma_start3A_111] : memref<36x128xi32, #tpu.memory_space<vmem>> -> memref<1x128xi32, #tpu.memory_space<vmem>>
      %dma_start3A_113 = tpu.memref_squeeze %dma_start3A_112 : memref<1x128xi32, #tpu.memory_space<vmem>> -> memref<128xi32, #tpu.memory_space<vmem>>
      %dma_start3A_114 = arith.constant 0 : i32
      %dma_start3A_115 = tpu.memref_slice %arg10[%dma_start3A_114] : memref<24640xf32, #tpu.memory_space<hbm>> -> memref<24640xf32, #tpu.memory_space<hbm>>
      tpu.enqueue_indirect_dma source(%dma_start3A_110 : memref<128xf32, #tpu.memory_space<vmem>>) target(%dma_start3A_115 : memref<24640xf32, #tpu.memory_space<hbm>>) offsets(%dma_start3A_113 : memref<128xi32, #tpu.memory_space<vmem>>) semaphore(%arg19 : memref<!tpu.dma_semaphore, #tpu.memory_space<semaphore_mem>>)
      %scan3A_116 = arith.constant 0 : i32
      scf.yield %scan3A_116 : i32
    }
    %scan3A_53 = arith.constant 36 : i32
    %scan3A_54 = arith.constant 0 : i32
    %scan3A_55 = arith.constant 0 : i32
    %scan3A_56 = arith.constant 36 : i32
    %scan3A_57 = arith.addi %scan3A_55, %scan3A_56 : i32
    %scan3A_58 = arith.constant 1 : i32
    %scan3A_59 = scf.for %scan3A_107 = %scan3A_55 to %scan3A_57 step %scan3A_58 iter_args(%scan3A_108 = %scan3A_54) -> (i32)  : i32 {
      %dma_start3A = arith.constant 0 : i32
      %dma_start3A_109 = tpu.memref_slice %arg16[%scan3A_107, %dma_start3A] : memref<36x128xf32, #tpu.memory_space<vmem>> -> memref<1x128xf32, #tpu.memory_space<vmem>>
      %dma_start3A_110 = tpu.memref_squeeze %dma_start3A_109 : memref<1x128xf32, #tpu.memory_space<vmem>> -> memref<128xf32, #tpu.memory_space<vmem>>
      %dma_start3A_111 = arith.constant 0 : i32
      %dma_start3A_112 = tpu.memref_slice %arg18[%scan3A_107, %dma_start3A_111] : memref<36x128xi32, #tpu.memory_space<vmem>> -> memref<1x128xi32, #tpu.memory_space<vmem>>
      %dma_start3A_113 = tpu.memref_squeeze %dma_start3A_112 : memref<1x128xi32, #tpu.memory_space<vmem>> -> memref<128xi32, #tpu.memory_space<vmem>>
      %dma_start3A_114 = arith.constant 0 : i32
      %dma_start3A_115 = tpu.memref_slice %arg11[%dma_start3A_114] : memref<24640xf32, #tpu.memory_space<hbm>> -> memref<24640xf32, #tpu.memory_space<hbm>>
      tpu.enqueue_indirect_dma source(%dma_start3A_110 : memref<128xf32, #tpu.memory_space<vmem>>) target(%dma_start3A_115 : memref<24640xf32, #tpu.memory_space<hbm>>) offsets(%dma_start3A_113 : memref<128xi32, #tpu.memory_space<vmem>>) semaphore(%arg19 : memref<!tpu.dma_semaphore, #tpu.memory_space<semaphore_mem>>)
      %scan3A_116 = arith.constant 0 : i32
      scf.yield %scan3A_116 : i32
    }
    %scan3A_60 = arith.constant 36 : i32
    %scan3A_61 = arith.constant 0 : i32
    %scan3A_62 = arith.constant 0 : i32
    %scan3A_63 = arith.constant 36 : i32
    %scan3A_64 = arith.addi %scan3A_62, %scan3A_63 : i32
    %scan3A_65 = arith.constant 1 : i32
    %scan3A_66 = scf.for %scan3A_107 = %scan3A_62 to %scan3A_64 step %scan3A_65 iter_args(%scan3A_108 = %scan3A_61) -> (i32)  : i32 {
      %dma_start3A = arith.constant 0 : i32
      %dma_start3A_109 = tpu.memref_slice %arg17[%scan3A_107, %dma_start3A] : memref<36x128xf32, #tpu.memory_space<vmem>> -> memref<1x128xf32, #tpu.memory_space<vmem>>
      %dma_start3A_110 = tpu.memref_squeeze %dma_start3A_109 : memref<1x128xf32, #tpu.memory_space<vmem>> -> memref<128xf32, #tpu.memory_space<vmem>>
      %dma_start3A_111 = arith.constant 0 : i32
      %dma_start3A_112 = tpu.memref_slice %arg18[%scan3A_107, %dma_start3A_111] : memref<36x128xi32, #tpu.memory_space<vmem>> -> memref<1x128xi32, #tpu.memory_space<vmem>>
      %dma_start3A_113 = tpu.memref_squeeze %dma_start3A_112 : memref<1x128xi32, #tpu.memory_space<vmem>> -> memref<128xi32, #tpu.memory_space<vmem>>
      %dma_start3A_114 = arith.constant 0 : i32
      %dma_start3A_115 = tpu.memref_slice %arg12[%dma_start3A_114] : memref<24640xf32, #tpu.memory_space<hbm>> -> memref<24640xf32, #tpu.memory_space<hbm>>
      tpu.enqueue_indirect_dma source(%dma_start3A_110 : memref<128xf32, #tpu.memory_space<vmem>>) target(%dma_start3A_115 : memref<24640xf32, #tpu.memory_space<hbm>>) offsets(%dma_start3A_113 : memref<128xi32, #tpu.memory_space<vmem>>) semaphore(%arg19 : memref<!tpu.dma_semaphore, #tpu.memory_space<semaphore_mem>>)
      %scan3A_116 = arith.constant 0 : i32
      scf.yield %scan3A_116 : i32
    }
    %scan3A_67 = arith.constant 36 : i32
    %dma_wait3A = arith.constant 0 : i32
    %dma_wait3A_68 = arith.constant 0 : i32
    %dma_wait3A_69 = tpu.memref_slice %arg2[%add3A_33, %dma_wait3A, %dma_wait3A_68] : memref<32x36x128xf32, #tpu.memory_space<hbm>> -> memref<1x36x128xf32, #tpu.memory_space<hbm>>
    %dma_wait3A_70 = tpu.memref_squeeze %dma_wait3A_69 : memref<1x36x128xf32, #tpu.memory_space<hbm>> -> memref<36x128xf32, #tpu.memory_space<hbm>>
    %dma_wait3A_71 = arith.constant 0 : i32
    %dma_wait3A_72 = arith.constant 0 : i32
    %dma_wait3A_73 = tpu.memref_slice %arg2[%add3A_33, %dma_wait3A_71, %dma_wait3A_72] : memref<32x36x128xf32, #tpu.memory_space<hbm>> -> memref<1x36x128xf32, #tpu.memory_space<hbm>>
    %dma_wait3A_74 = tpu.memref_squeeze %dma_wait3A_73 : memref<1x36x128xf32, #tpu.memory_space<hbm>> -> memref<36x128xf32, #tpu.memory_space<hbm>>
    tpu.wait_dma2 semaphore(%arg19 : memref<!tpu.dma_semaphore, #tpu.memory_space<semaphore_mem>>) src(%dma_wait3A_74 : memref<36x128xf32, #tpu.memory_space<hbm>>) dst(%arg13 : memref<36x128xf32, #tpu.memory_space<vmem>>)
    %dma_wait3A_75 = arith.constant 0 : i32
    %dma_wait3A_76 = arith.constant 0 : i32
    %dma_wait3A_77 = tpu.memref_slice %arg3[%add3A_33, %dma_wait3A_75, %dma_wait3A_76] : memref<32x36x128xf32, #tpu.memory_space<hbm>> -> memref<1x36x128xf32, #tpu.memory_space<hbm>>
    %dma_wait3A_78 = tpu.memref_squeeze %dma_wait3A_77 : memref<1x36x128xf32, #tpu.memory_space<hbm>> -> memref<36x128xf32, #tpu.memory_space<hbm>>
    %dma_wait3A_79 = arith.constant 0 : i32
    %dma_wait3A_80 = arith.constant 0 : i32
    %dma_wait3A_81 = tpu.memref_slice %arg3[%add3A_33, %dma_wait3A_79, %dma_wait3A_80] : memref<32x36x128xf32, #tpu.memory_space<hbm>> -> memref<1x36x128xf32, #tpu.memory_space<hbm>>
    %dma_wait3A_82 = tpu.memref_squeeze %dma_wait3A_81 : memref<1x36x128xf32, #tpu.memory_space<hbm>> -> memref<36x128xf32, #tpu.memory_space<hbm>>
    tpu.wait_dma2 semaphore(%arg19 : memref<!tpu.dma_semaphore, #tpu.memory_space<semaphore_mem>>) src(%dma_wait3A_82 : memref<36x128xf32, #tpu.memory_space<hbm>>) dst(%arg14 : memref<36x128xf32, #tpu.memory_space<vmem>>)
    %dma_wait3A_83 = arith.constant 0 : i32
    %dma_wait3A_84 = arith.constant 0 : i32
    %dma_wait3A_85 = tpu.memref_slice %arg4[%add3A_33, %dma_wait3A_83, %dma_wait3A_84] : memref<32x36x128xf32, #tpu.memory_space<hbm>> -> memref<1x36x128xf32, #tpu.memory_space<hbm>>
    %dma_wait3A_86 = tpu.memref_squeeze %dma_wait3A_85 : memref<1x36x128xf32, #tpu.memory_space<hbm>> -> memref<36x128xf32, #tpu.memory_space<hbm>>
    %dma_wait3A_87 = arith.constant 0 : i32
    %dma_wait3A_88 = arith.constant 0 : i32
    %dma_wait3A_89 = tpu.memref_slice %arg4[%add3A_33, %dma_wait3A_87, %dma_wait3A_88] : memref<32x36x128xf32, #tpu.memory_space<hbm>> -> memref<1x36x128xf32, #tpu.memory_space<hbm>>
    %dma_wait3A_90 = tpu.memref_squeeze %dma_wait3A_89 : memref<1x36x128xf32, #tpu.memory_space<hbm>> -> memref<36x128xf32, #tpu.memory_space<hbm>>
    tpu.wait_dma2 semaphore(%arg19 : memref<!tpu.dma_semaphore, #tpu.memory_space<semaphore_mem>>) src(%dma_wait3A_90 : memref<36x128xf32, #tpu.memory_space<hbm>>) dst(%arg15 : memref<36x128xf32, #tpu.memory_space<vmem>>)
    %dma_wait3A_91 = arith.constant 0 : i32
    %dma_wait3A_92 = arith.constant 0 : i32
    %dma_wait3A_93 = tpu.memref_slice %arg5[%add3A_33, %dma_wait3A_91, %dma_wait3A_92] : memref<32x36x128xf32, #tpu.memory_space<hbm>> -> memref<1x36x128xf32, #tpu.memory_space<hbm>>
    %dma_wait3A_94 = tpu.memref_squeeze %dma_wait3A_93 : memref<1x36x128xf32, #tpu.memory_space<hbm>> -> memref<36x128xf32, #tpu.memory_space<hbm>>
    %dma_wait3A_95 = arith.constant 0 : i32
    %dma_wait3A_96 = arith.constant 0 : i32
    %dma_wait3A_97 = tpu.memref_slice %arg5[%add3A_33, %dma_wait3A_95, %dma_wait3A_96] : memref<32x36x128xf32, #tpu.memory_space<hbm>> -> memref<1x36x128xf32, #tpu.memory_space<hbm>>
    %dma_wait3A_98 = tpu.memref_squeeze %dma_wait3A_97 : memref<1x36x128xf32, #tpu.memory_space<hbm>> -> memref<36x128xf32, #tpu.memory_space<hbm>>
    tpu.wait_dma2 semaphore(%arg19 : memref<!tpu.dma_semaphore, #tpu.memory_space<semaphore_mem>>) src(%dma_wait3A_98 : memref<36x128xf32, #tpu.memory_space<hbm>>) dst(%arg16 : memref<36x128xf32, #tpu.memory_space<vmem>>)
    %dma_wait3A_99 = arith.constant 0 : i32
    %dma_wait3A_100 = arith.constant 0 : i32
    %dma_wait3A_101 = tpu.memref_slice %arg6[%add3A_33, %dma_wait3A_99, %dma_wait3A_100] : memref<32x36x128xf32, #tpu.memory_space<hbm>> -> memref<1x36x128xf32, #tpu.memory_space<hbm>>
    %dma_wait3A_102 = tpu.memref_squeeze %dma_wait3A_101 : memref<1x36x128xf32, #tpu.memory_space<hbm>> -> memref<36x128xf32, #tpu.memory_space<hbm>>
    %dma_wait3A_103 = arith.constant 0 : i32
    %dma_wait3A_104 = arith.constant 0 : i32
    %dma_wait3A_105 = tpu.memref_slice %arg6[%add3A_33, %dma_wait3A_103, %dma_wait3A_104] : memref<32x36x128xf32, #tpu.memory_space<hbm>> -> memref<1x36x128xf32, #tpu.memory_space<hbm>>
    %dma_wait3A_106 = tpu.memref_squeeze %dma_wait3A_105 : memref<1x36x128xf32, #tpu.memory_space<hbm>> -> memref<36x128xf32, #tpu.memory_space<hbm>>
    tpu.wait_dma2 semaphore(%arg19 : memref<!tpu.dma_semaphore, #tpu.memory_space<semaphore_mem>>) src(%dma_wait3A_106 : memref<36x128xf32, #tpu.memory_space<hbm>>) dst(%arg17 : memref<36x128xf32, #tpu.memory_space<vmem>>)
    return
  }
}

module attributes {stable_mosaic.version = 14 : i64} {
  func.func @_decode_body(%arg0: memref<4x36864xf32, #tpu.memory_space<vmem>>, %arg1: memref<4x36864xf32, #tpu.memory_space<vmem>>, %arg2: memref<4x36864xf32, #tpu.memory_space<vmem>>, %arg3: memref<4x36864xf32, #tpu.memory_space<vmem>>, %arg4: memref<4x36864xf32, #tpu.memory_space<vmem>>, %arg5: memref<1x36864xf32, #tpu.memory_space<vmem>>, %arg6: memref<1x36864xf32, #tpu.memory_space<vmem>>, %arg7: memref<1x36864xf32, #tpu.memory_space<vmem>>, %arg8: memref<1x36864xf32, #tpu.memory_space<vmem>>, %arg9: memref<4x1xf32, #tpu.memory_space<vmem>>, %arg10: memref<4x1xf32, #tpu.memory_space<vmem>>, %arg11: memref<4x36864xf32, #tpu.memory_space<vmem>>, %arg12: memref<4x36864xf32, #tpu.memory_space<vmem>>, %arg13: memref<4x36864xf32, #tpu.memory_space<vmem>>, %arg14: memref<4x36864xf32, #tpu.memory_space<vmem>>, %arg15: memref<4x36864xf32, #tpu.memory_space<vmem>>, %arg16: memref<4x36864xi32, #tpu.memory_space<vmem>>) attributes {dimension_semantics = [], scalar_prefetch = 0 : i64, scratch_operands = 1 : i64, tpu.core_type = #tpu.core_type<tc>} {
    %iota3A = tpu.iota {dimensions = array<i32: 1>} : vector<4x36864xi32>
    %get3A = arith.constant 0 : index
    %get3A_0 = arith.constant 0 : index
    %get3A_1 = vector.load %arg5[%get3A, %get3A_0] : memref<1x36864xf32, #tpu.memory_space<vmem>>, vector<1x36864xf32>
    %get3A_2 = arith.constant 0 : index
    %get3A_3 = arith.constant 0 : index
    %get3A_4 = vector.load %arg6[%get3A_2, %get3A_3] : memref<1x36864xf32, #tpu.memory_space<vmem>>, vector<1x36864xf32>
    %get3A_5 = arith.constant 0 : index
    %get3A_6 = arith.constant 0 : index
    %get3A_7 = vector.load %arg7[%get3A_5, %get3A_6] : memref<1x36864xf32, #tpu.memory_space<vmem>>, vector<1x36864xf32>
    %get3A_8 = arith.constant 0 : index
    %get3A_9 = arith.constant 0 : index
    %get3A_10 = vector.load %arg8[%get3A_8, %get3A_9] : memref<1x36864xf32, #tpu.memory_space<vmem>>, vector<1x36864xf32>
    %sub3A = arith.subf %get3A_7, %get3A_1 : vector<1x36864xf32>
    %add3A = arith.constant 1.000000e+00 : f32
    %add3A_11 = vector.broadcast %add3A : f32 to vector<1x36864xf32>
    %add3A_12 = arith.addf %sub3A, %add3A_11 : vector<1x36864xf32>
    %sub3A_13 = arith.subf %get3A_10, %get3A_4 : vector<1x36864xf32>
    %add3A_14 = arith.constant 1.000000e+00 : f32
    %add3A_15 = vector.broadcast %add3A_14 : f32 to vector<1x36864xf32>
    %add3A_16 = arith.addf %sub3A_13, %add3A_15 : vector<1x36864xf32>
    %mul3A = arith.constant 5.000000e-01 : f32
    %mul3A_17 = vector.broadcast %mul3A : f32 to vector<1x36864xf32>
    %mul3A_18 = arith.mulf %mul3A_17, %add3A_12 : vector<1x36864xf32>
    %add3A_19 = arith.addf %get3A_1, %mul3A_18 : vector<1x36864xf32>
    %mul3A_20 = arith.constant 5.000000e-01 : f32
    %mul3A_21 = vector.broadcast %mul3A_20 : f32 to vector<1x36864xf32>
    %mul3A_22 = arith.mulf %mul3A_21, %add3A_16 : vector<1x36864xf32>
    %add3A_23 = arith.addf %get3A_4, %mul3A_22 : vector<1x36864xf32>
    %get3A_24 = arith.constant 0 : index
    %get3A_25 = arith.constant 0 : index
    %get3A_26 = vector.load %arg1[%get3A_24, %get3A_25] : memref<4x36864xf32, #tpu.memory_space<vmem>>, vector<4x36864xf32>
    %mul3A_27 = vector.broadcast %add3A_12 : vector<1x36864xf32> to vector<4x36864xf32>
    %mul3A_28 = arith.mulf %get3A_26, %mul3A_27 : vector<4x36864xf32>
    %add3A_29 = vector.broadcast %add3A_19 : vector<1x36864xf32> to vector<4x36864xf32>
    %add3A_30 = arith.addf %mul3A_28, %add3A_29 : vector<4x36864xf32>
    %get3A_31 = arith.constant 0 : index
    %get3A_32 = arith.constant 0 : index
    %get3A_33 = vector.load %arg2[%get3A_31, %get3A_32] : memref<4x36864xf32, #tpu.memory_space<vmem>>, vector<4x36864xf32>
    %mul3A_34 = vector.broadcast %add3A_16 : vector<1x36864xf32> to vector<4x36864xf32>
    %mul3A_35 = arith.mulf %get3A_33, %mul3A_34 : vector<4x36864xf32>
    %add3A_36 = vector.broadcast %add3A_23 : vector<1x36864xf32> to vector<4x36864xf32>
    %add3A_37 = arith.addf %mul3A_35, %add3A_36 : vector<4x36864xf32>
    %get3A_38 = arith.constant 0 : index
    %get3A_39 = arith.constant 0 : index
    %get3A_40 = vector.load %arg3[%get3A_38, %get3A_39] : memref<4x36864xf32, #tpu.memory_space<vmem>>, vector<4x36864xf32>
    %exp3A = math.exp %get3A_40 : vector<4x36864xf32>
    %mul3A_41 = vector.broadcast %add3A_12 : vector<1x36864xf32> to vector<4x36864xf32>
    %mul3A_42 = arith.mulf %exp3A, %mul3A_41 : vector<4x36864xf32>
    %get3A_43 = arith.constant 0 : index
    %get3A_44 = arith.constant 0 : index
    %get3A_45 = vector.load %arg4[%get3A_43, %get3A_44] : memref<4x36864xf32, #tpu.memory_space<vmem>>, vector<4x36864xf32>
    %exp3A_46 = math.exp %get3A_45 : vector<4x36864xf32>
    %mul3A_47 = vector.broadcast %add3A_16 : vector<1x36864xf32> to vector<4x36864xf32>
    %mul3A_48 = arith.mulf %exp3A_46, %mul3A_47 : vector<4x36864xf32>
    %mul3A_49 = arith.constant 5.000000e-01 : f32
    %mul3A_50 = vector.broadcast %mul3A_49 : f32 to vector<4x36864xf32>
    %mul3A_51 = arith.mulf %mul3A_50, %mul3A_42 : vector<4x36864xf32>
    %sub3A_52 = arith.subf %add3A_30, %mul3A_51 : vector<4x36864xf32>
    %mul3A_53 = arith.constant 5.000000e-01 : f32
    %mul3A_54 = vector.broadcast %mul3A_53 : f32 to vector<4x36864xf32>
    %mul3A_55 = arith.mulf %mul3A_54, %mul3A_48 : vector<4x36864xf32>
    %sub3A_56 = arith.subf %add3A_37, %mul3A_55 : vector<4x36864xf32>
    %mul3A_57 = arith.constant 5.000000e-01 : f32
    %mul3A_58 = vector.broadcast %mul3A_57 : f32 to vector<4x36864xf32>
    %mul3A_59 = arith.mulf %mul3A_58, %mul3A_42 : vector<4x36864xf32>
    %add3A_60 = arith.addf %add3A_30, %mul3A_59 : vector<4x36864xf32>
    %mul3A_61 = arith.constant 5.000000e-01 : f32
    %mul3A_62 = vector.broadcast %mul3A_61 : f32 to vector<4x36864xf32>
    %mul3A_63 = arith.mulf %mul3A_62, %mul3A_48 : vector<4x36864xf32>
    %add3A_64 = arith.addf %add3A_37, %mul3A_63 : vector<4x36864xf32>
    %get3A_65 = arith.constant 0 : index
    %get3A_66 = arith.constant 0 : index
    %get3A_67 = vector.load %arg9[%get3A_65, %get3A_66] : memref<4x1xf32, #tpu.memory_space<vmem>>, vector<4x1xf32>
    %get3A_68 = arith.constant 0 : index
    %get3A_69 = arith.constant 0 : index
    %get3A_70 = vector.load %arg10[%get3A_68, %get3A_69] : memref<4x1xf32, #tpu.memory_space<vmem>>, vector<4x1xf32>
    %sub3A_71 = arith.constant 1.000000e+00 : f32
    %sub3A_72 = vector.broadcast %sub3A_71 : f32 to vector<4x1xf32>
    %sub3A_73 = arith.subf %get3A_70, %sub3A_72 : vector<4x1xf32>
    %jit3A = arith.constant 0.000000e+00 : f32
    %max3A = vector.broadcast %jit3A : f32 to vector<4x36864xf32>
    %max3A_74 = arith.maximumf %max3A, %sub3A_52 : vector<4x36864xf32>
    %min3A = vector.broadcast %sub3A_73 : vector<4x1xf32> to vector<4x36864xf32>
    %min3A_75 = arith.minimumf %min3A, %max3A_74 : vector<4x36864xf32>
    %swap3A = arith.constant 0 : index
    %swap3A_76 = arith.constant 0 : index
    %swap3A_77 = vector.load %arg11[%swap3A, %swap3A_76] : memref<4x36864xf32, #tpu.memory_space<vmem>>, vector<4x36864xf32>
    tpu.vector_store %arg11[%swap3A, %swap3A_76], %min3A_75 {strides = array<i32>} : memref<4x36864xf32, #tpu.memory_space<vmem>>, vector<4x36864xf32>,
    %sub3A_78 = arith.constant 1.000000e+00 : f32
    %sub3A_79 = vector.broadcast %sub3A_78 : f32 to vector<4x1xf32>
    %sub3A_80 = arith.subf %get3A_67, %sub3A_79 : vector<4x1xf32>
    %jit3A_81 = arith.constant 0.000000e+00 : f32
    %max3A_82 = vector.broadcast %jit3A_81 : f32 to vector<4x36864xf32>
    %max3A_83 = arith.maximumf %max3A_82, %sub3A_56 : vector<4x36864xf32>
    %min3A_84 = vector.broadcast %sub3A_80 : vector<4x1xf32> to vector<4x36864xf32>
    %min3A_85 = arith.minimumf %min3A_84, %max3A_83 : vector<4x36864xf32>
    %swap3A_86 = arith.constant 0 : index
    %swap3A_87 = arith.constant 0 : index
    %swap3A_88 = vector.load %arg12[%swap3A_86, %swap3A_87] : memref<4x36864xf32, #tpu.memory_space<vmem>>, vector<4x36864xf32>
    tpu.vector_store %arg12[%swap3A_86, %swap3A_87], %min3A_85 {strides = array<i32>} : memref<4x36864xf32, #tpu.memory_space<vmem>>, vector<4x36864xf32>,
    %sub3A_89 = arith.constant 1.000000e+00 : f32
    %sub3A_90 = vector.broadcast %sub3A_89 : f32 to vector<4x1xf32>
    %sub3A_91 = arith.subf %get3A_70, %sub3A_90 : vector<4x1xf32>
    %jit3A_92 = arith.constant 0.000000e+00 : f32
    %max3A_93 = vector.broadcast %jit3A_92 : f32 to vector<4x36864xf32>
    %max3A_94 = arith.maximumf %max3A_93, %add3A_60 : vector<4x36864xf32>
    %min3A_95 = vector.broadcast %sub3A_91 : vector<4x1xf32> to vector<4x36864xf32>
    %min3A_96 = arith.minimumf %min3A_95, %max3A_94 : vector<4x36864xf32>
    %swap3A_97 = arith.constant 0 : index
    %swap3A_98 = arith.constant 0 : index
    %swap3A_99 = vector.load %arg13[%swap3A_97, %swap3A_98] : memref<4x36864xf32, #tpu.memory_space<vmem>>, vector<4x36864xf32>
    tpu.vector_store %arg13[%swap3A_97, %swap3A_98], %min3A_96 {strides = array<i32>} : memref<4x36864xf32, #tpu.memory_space<vmem>>, vector<4x36864xf32>,
    %sub3A_100 = arith.constant 1.000000e+00 : f32
    %sub3A_101 = vector.broadcast %sub3A_100 : f32 to vector<4x1xf32>
    %sub3A_102 = arith.subf %get3A_67, %sub3A_101 : vector<4x1xf32>
    %jit3A_103 = arith.constant 0.000000e+00 : f32
    %max3A_104 = vector.broadcast %jit3A_103 : f32 to vector<4x36864xf32>
    %max3A_105 = arith.maximumf %max3A_104, %add3A_64 : vector<4x36864xf32>
    %min3A_106 = vector.broadcast %sub3A_102 : vector<4x1xf32> to vector<4x36864xf32>
    %min3A_107 = arith.minimumf %min3A_106, %max3A_105 : vector<4x36864xf32>
    %swap3A_108 = arith.constant 0 : index
    %swap3A_109 = arith.constant 0 : index
    %swap3A_110 = vector.load %arg14[%swap3A_108, %swap3A_109] : memref<4x36864xf32, #tpu.memory_space<vmem>>, vector<4x36864xf32>
    tpu.vector_store %arg14[%swap3A_108, %swap3A_109], %min3A_107 {strides = array<i32>} : memref<4x36864xf32, #tpu.memory_space<vmem>>, vector<4x36864xf32>,
    %get3A_111 = arith.constant 0 : index
    %get3A_112 = arith.constant 0 : index
    %get3A_113 = vector.load %arg0[%get3A_111, %get3A_112] : memref<4x36864xf32, #tpu.memory_space<vmem>>, vector<4x36864xf32>
    %bitcast_convert_type3A = tpu.bitcast %get3A_113 : vector<4x36864xf32> -> vector<4x36864xi32>
    %lt3A = arith.constant 0 : i32
    %lt3A_114 = vector.broadcast %lt3A : i32 to vector<4x36864xi32>
    %lt3A_115 = arith.cmpi slt, %bitcast_convert_type3A, %lt3A_114 : vector<4x36864xi32>
    %xor3A = arith.constant 2147483647 : i32
    %xor3A_116 = vector.broadcast %xor3A : i32 to vector<4x36864xi32>
    %xor3A_117 = arith.xori %bitcast_convert_type3A, %xor3A_116 : vector<4x36864xi32>
    %select_n3A = arith.select %lt3A_115, %xor3A_117, %bitcast_convert_type3A : vector<4x36864xi1>, vector<4x36864xi32>
    %swap3A_118 = arith.constant 0 : index
    %swap3A_119 = arith.constant 0 : index
    %swap3A_120 = vector.load %arg16[%swap3A_118, %swap3A_119] : memref<4x36864xi32, #tpu.memory_space<vmem>>, vector<4x36864xi32>
    tpu.vector_store %arg16[%swap3A_118, %swap3A_119], %select_n3A {strides = array<i32>} : memref<4x36864xi32, #tpu.memory_space<vmem>>, vector<4x36864xi32>,
    %broadcast_in_dim3A = arith.constant 0 : i32
    %broadcast_in_dim3A_121 = vector.broadcast %broadcast_in_dim3A : i32 to vector<4x1xi32>
    %scan3A = arith.constant -2147483648 : i32
    %scan3A_122 = arith.constant 0 : i32
    %scan3A_123 = arith.constant 32 : i32
    %scan3A_124 = arith.addi %scan3A_122, %scan3A_123 : i32
    %scan3A_125 = arith.constant 1 : i32
    %scan3A_126 = scf.for %scan3A_159 = %scan3A_122 to %scan3A_124 step %scan3A_125 iter_args(%scan3A_160 = %broadcast_in_dim3A_121) -> (vector<4x1xi32>)  : i32 {
      %sub3A_161 = arith.constant 31 : i32
      %sub3A_162 = arith.subi %sub3A_161, %scan3A_159 : i32
      %shift_left3A = arith.constant 1 : i32
      %shift_left3A_163 = arith.shli %shift_left3A, %sub3A_162 : i32
      %or3A_164 = vector.broadcast %shift_left3A_163 : i32 to vector<4x1xi32>
      %or3A_165 = arith.ori %scan3A_160, %or3A_164 : vector<4x1xi32>
      %add3A_166 = vector.broadcast %scan3A : i32 to vector<4x1xi32>
      %add3A_167 = arith.addi %add3A_166, %or3A_165 : vector<4x1xi32>
      %get3A_168 = arith.constant 0 : index
      %get3A_169 = arith.constant 0 : index
      %get3A_170 = vector.load %arg16[%get3A_168, %get3A_169] : memref<4x36864xi32, #tpu.memory_space<vmem>>, vector<4x36864xi32>
      %ge3A = vector.broadcast %add3A_167 : vector<4x1xi32> to vector<4x36864xi32>
      %ge3A_171 = arith.cmpi sge, %get3A_170, %ge3A : vector<4x36864xi32>
      %convert_element_type3A_172 = arith.extui %ge3A_171 : vector<4x36864xi1> to vector<4x36864xi32>
      %reduce_sum3A_173 = arith.constant dense<0> : vector<4xi32>
      %reduce_sum3A_174 = vector.multi_reduction <add>, %convert_element_type3A_172, %reduce_sum3A_173 [1] : vector<4x36864xi32> to vector<4xi32>
      %broadcast_in_dim3A_175 = vector.shape_cast %reduce_sum3A_174 : vector<4xi32> to vector<4x1xi32>
      %ge3A_176 = arith.constant 6000 : i32
      %ge3A_177 = vector.broadcast %ge3A_176 : i32 to vector<4x1xi32>
      %ge3A_178 = arith.cmpi sge, %broadcast_in_dim3A_175, %ge3A_177 : vector<4x1xi32>
      %select_n3A_179 = arith.select %ge3A_178, %or3A_165, %scan3A_160 : vector<4x1xi1>, vector<4x1xi32>
      scf.yield %select_n3A_179 : vector<4x1xi32>
    }
    %scan3A_127 = arith.constant 32 : i32
    %add3A_128 = arith.constant -2147483648 : i32
    %add3A_129 = vector.broadcast %add3A_128 : i32 to vector<4x1xi32>
    %add3A_130 = arith.addi %add3A_129, %scan3A_126 : vector<4x1xi32>
    %get3A_131 = arith.constant 0 : index
    %get3A_132 = arith.constant 0 : index
    %get3A_133 = vector.load %arg16[%get3A_131, %get3A_132] : memref<4x36864xi32, #tpu.memory_space<vmem>>, vector<4x36864xi32>
    %gt3A = vector.broadcast %add3A_130 : vector<4x1xi32> to vector<4x36864xi32>
    %gt3A_134 = arith.cmpi sgt, %get3A_133, %gt3A : vector<4x36864xi32>
    %convert_element_type3A = arith.extui %gt3A_134 : vector<4x36864xi1> to vector<4x36864xi32>
    %reduce_sum3A = arith.constant dense<0> : vector<4xi32>
    %reduce_sum3A_135 = vector.multi_reduction <add>, %convert_element_type3A, %reduce_sum3A [1] : vector<4x36864xi32> to vector<4xi32>
    %broadcast_in_dim3A_136 = vector.shape_cast %reduce_sum3A_135 : vector<4xi32> to vector<4x1xi32>
    %sub3A_137 = arith.constant 6000 : i32
    %sub3A_138 = vector.broadcast %sub3A_137 : i32 to vector<4x1xi32>
    %sub3A_139 = arith.subi %sub3A_138, %broadcast_in_dim3A_136 : vector<4x1xi32>
    %broadcast_in_dim3A_140 = arith.constant 0 : i32
    %broadcast_in_dim3A_141 = vector.broadcast %broadcast_in_dim3A_140 : i32 to vector<4x1xi32>
    %broadcast_in_dim3A_142 = arith.constant 36863 : i32
    %broadcast_in_dim3A_143 = vector.broadcast %broadcast_in_dim3A_142 : i32 to vector<4x1xi32>
    %scan3A_144 = arith.constant 0 : i32
    %scan3A_145 = arith.constant 17 : i32
    %scan3A_146 = arith.addi %scan3A_144, %scan3A_145 : i32
    %scan3A_147 = arith.constant 1 : i32
    %scan3A_148:2 = scf.for %scan3A_159 = %scan3A_144 to %scan3A_146 step %scan3A_147 iter_args(%scan3A_160 = %broadcast_in_dim3A_141, %scan3A_161 = %broadcast_in_dim3A_143) -> (vector<4x1xi32>, vector<4x1xi32>)  : i32 {
      %add3A_162 = arith.addi %scan3A_160, %scan3A_161 : vector<4x1xi32>
      %shift_right_arithmetic3A = arith.constant 1 : i32
      %shift_right_arithmetic3A_163 = vector.broadcast %shift_right_arithmetic3A : i32 to vector<4x1xi32>
      %shift_right_arithmetic3A_164 = arith.shrsi %add3A_162, %shift_right_arithmetic3A_163 : vector<4x1xi32>
      %get3A_165 = arith.constant 0 : index
      %get3A_166 = arith.constant 0 : index
      %get3A_167 = vector.load %arg16[%get3A_165, %get3A_166] : memref<4x36864xi32, #tpu.memory_space<vmem>>, vector<4x36864xi32>
      %eq3A_168 = vector.broadcast %add3A_130 : vector<4x1xi32> to vector<4x36864xi32>
      %eq3A_169 = arith.cmpi eq, %get3A_167, %eq3A_168 : vector<4x36864xi32>
      %le3A_170 = vector.broadcast %shift_right_arithmetic3A_164 : vector<4x1xi32> to vector<4x36864xi32>
      %le3A_171 = arith.cmpi sle, %iota3A, %le3A_170 : vector<4x36864xi32>
      %and3A_172 = arith.andi %eq3A_169, %le3A_171 : vector<4x36864xi1>
      %convert_element_type3A_173 = arith.extui %and3A_172 : vector<4x36864xi1> to vector<4x36864xi32>
      %reduce_sum3A_174 = arith.constant dense<0> : vector<4xi32>
      %reduce_sum3A_175 = vector.multi_reduction <add>, %convert_element_type3A_173, %reduce_sum3A_174 [1] : vector<4x36864xi32> to vector<4xi32>
      %broadcast_in_dim3A_176 = vector.shape_cast %reduce_sum3A_175 : vector<4xi32> to vector<4x1xi32>
      %ge3A = arith.cmpi sge, %broadcast_in_dim3A_176, %sub3A_139 : vector<4x1xi32>
      %add3A_177 = arith.constant 1 : i32
      %add3A_178 = vector.broadcast %add3A_177 : i32 to vector<4x1xi32>
      %add3A_179 = arith.addi %shift_right_arithmetic3A_164, %add3A_178 : vector<4x1xi32>
      %select_n3A_180 = arith.select %ge3A, %scan3A_160, %add3A_179 : vector<4x1xi1>, vector<4x1xi32>
      %select_n3A_181 = arith.select %ge3A, %shift_right_arithmetic3A_164, %scan3A_161 : vector<4x1xi1>, vector<4x1xi32>
      scf.yield %select_n3A_180, %select_n3A_181 : vector<4x1xi32>, vector<4x1xi32>
    }
    %gt3A_149 = vector.broadcast %add3A_130 : vector<4x1xi32> to vector<4x36864xi32>
    %gt3A_150 = arith.cmpi sgt, %get3A_133, %gt3A_149 : vector<4x36864xi32>
    %eq3A = vector.broadcast %add3A_130 : vector<4x1xi32> to vector<4x36864xi32>
    %eq3A_151 = arith.cmpi eq, %get3A_133, %eq3A : vector<4x36864xi32>
    %le3A = vector.broadcast %scan3A_148#1 : vector<4x1xi32> to vector<4x36864xi32>
    %le3A_152 = arith.cmpi sle, %iota3A, %le3A : vector<4x36864xi32>
    %and3A = arith.andi %eq3A_151, %le3A_152 : vector<4x36864xi1>
    %or3A = arith.ori %gt3A_150, %and3A : vector<4x36864xi1>
    %jit3A_153 = arith.constant -1.000000e+30 : f32
    %broadcast_in_dim3A_154 = vector.broadcast %jit3A_153 : f32 to vector<4x36864xf32>
    %select_n3A_155 = arith.select %or3A, %get3A_113, %broadcast_in_dim3A_154 : vector<4x36864xi1>, vector<4x36864xf32>
    %swap3A_156 = arith.constant 0 : index
    %swap3A_157 = arith.constant 0 : index
    %swap3A_158 = vector.load %arg15[%swap3A_156, %swap3A_157] : memref<4x36864xf32, #tpu.memory_space<vmem>>, vector<4x36864xf32>
    tpu.vector_store %arg15[%swap3A_156, %swap3A_157], %select_n3A_155 {strides = array<i32>} : memref<4x36864xf32, #tpu.memory_space<vmem>>, vector<4x36864xf32>,
    return
  }
}

module attributes {stable_mosaic.version = 14 : i64} {
  func.func @_lane_prefix_body(%arg0: memref<1152x128xf32, #tpu.memory_space<vmem>>, %arg1: memref<1152x128xf32, #tpu.memory_space<vmem>>, %arg2: memref<1152x1xf32, #tpu.memory_space<vmem>>) attributes {dimension_semantics = [], scalar_prefetch = 0 : i64, scratch_operands = 0 : i64, tpu.core_type = #tpu.core_type<tc>} {
    %get3A = arith.constant 0 : index
    %get3A_0 = arith.constant 0 : index
    %get3A_1 = vector.load %arg0[%get3A, %get3A_0] : memref<1152x128xf32, #tpu.memory_space<vmem>>, vector<1152x128xf32>
    %gt3A = arith.constant -5.000000e+29 : f32
    %gt3A_2 = vector.broadcast %gt3A : f32 to vector<1152x128xf32>
    %gt3A_3 = arith.cmpf ogt, %get3A_1, %gt3A_2 : vector<1152x128xf32>
    %jit3A = arith.constant 1.000000e+00 : f32
    %jit3A_4 = arith.constant 0.000000e+00 : f32
    %broadcast_in_dim3A = vector.broadcast %jit3A : f32 to vector<1152x128xf32>
    %broadcast_in_dim3A_5 = vector.broadcast %jit3A_4 : f32 to vector<1152x128xf32>
    %select_n3A = arith.select %gt3A_3, %broadcast_in_dim3A, %broadcast_in_dim3A_5 : vector<1152x128xi1>, vector<1152x128xf32>
    %iota3A = tpu.iota {dimensions = array<i32: 0>} : vector<128x128xi32>
    %iota3A_6 = tpu.iota {dimensions = array<i32: 1>} : vector<128x128xi32>
    %lt3A = arith.cmpi slt, %iota3A, %iota3A_6 : vector<128x128xi32>
    %jit3A_7 = arith.constant 1.000000e+00 : f32
    %jit3A_8 = arith.constant 0.000000e+00 : f32
    %broadcast_in_dim3A_9 = vector.broadcast %jit3A_7 : f32 to vector<128x128xf32>
    %broadcast_in_dim3A_10 = vector.broadcast %jit3A_8 : f32 to vector<128x128xf32>
    %select_n3A_11 = arith.select %lt3A, %broadcast_in_dim3A_9, %broadcast_in_dim3A_10 : vector<128x128xi1>, vector<128x128xf32>
    %dot_general3A = arith.constant dense<0.000000e+00> : vector<1152x128xf32>
    %dot_general3A_12 = tpu.matmul %select_n3A, %select_n3A_11, %dot_general3A {dimension_numbers = #tpu.dot_dimension_numbers<[1], [0], [0], [1], [0, 0, 1, 1], [], []>, transpose_lhs_hint = false} : vector<1152x128xf32>, vector<128x128xf32>, vector<1152x128xf32> -> vector<1152x128xf32>
    %swap3A = arith.constant 0 : index
    %swap3A_13 = arith.constant 0 : index
    %swap3A_14 = vector.load %arg1[%swap3A, %swap3A_13] : memref<1152x128xf32, #tpu.memory_space<vmem>>, vector<1152x128xf32>
    tpu.vector_store %arg1[%swap3A, %swap3A_13], %dot_general3A_12 {strides = array<i32>} : memref<1152x128xf32, #tpu.memory_space<vmem>>, vector<1152x128xf32>,
    %reduce_sum3A = arith.constant dense<0.000000e+00> : vector<1152xf32>
    %reduce_sum3A_15 = vector.multi_reduction <add>, %select_n3A, %reduce_sum3A [1] : vector<1152x128xf32> to vector<1152xf32>
    %broadcast_in_dim3A_16 = vector.shape_cast %reduce_sum3A_15 : vector<1152xf32> to vector<1152x1xf32>
    %swap3A_17 = arith.constant 0 : index
    %swap3A_18 = arith.constant 0 : index
    %swap3A_19 = vector.load %arg2[%swap3A_17, %swap3A_18] : memref<1152x1xf32, #tpu.memory_space<vmem>>, vector<1152x1xf32>
    tpu.vector_store %arg2[%swap3A_17, %swap3A_18], %broadcast_in_dim3A_16 {strides = array<i32>} : memref<1152x1xf32, #tpu.memory_space<vmem>>, vector<1152x1xf32>,
    return
  }
}

module attributes {stable_mosaic.version = 14 : i64} {
  func.func @_chunk_prefix_body(%arg0: memref<4x288xf32, #tpu.memory_space<vmem>>, %arg1: memref<4x288xf32, #tpu.memory_space<vmem>>) attributes {dimension_semantics = [], scalar_prefetch = 0 : i64, scratch_operands = 0 : i64, tpu.core_type = #tpu.core_type<tc>} {
    %iota3A = tpu.iota {dimensions = array<i32: 0>} : vector<288x288xi32>
    %iota3A_0 = tpu.iota {dimensions = array<i32: 1>} : vector<288x288xi32>
    %lt3A = arith.cmpi slt, %iota3A, %iota3A_0 : vector<288x288xi32>
    %jit3A = arith.constant 1.000000e+00 : f32
    %jit3A_1 = arith.constant 0.000000e+00 : f32
    %broadcast_in_dim3A = vector.broadcast %jit3A : f32 to vector<288x288xf32>
    %broadcast_in_dim3A_2 = vector.broadcast %jit3A_1 : f32 to vector<288x288xf32>
    %select_n3A = arith.select %lt3A, %broadcast_in_dim3A, %broadcast_in_dim3A_2 : vector<288x288xi1>, vector<288x288xf32>
    %get3A = arith.constant 0 : index
    %get3A_3 = arith.constant 0 : index
    %get3A_4 = vector.load %arg0[%get3A, %get3A_3] : memref<4x288xf32, #tpu.memory_space<vmem>>, vector<4x288xf32>
    %dot_general3A = arith.constant dense<0.000000e+00> : vector<4x288xf32>
    %dot_general3A_5 = tpu.matmul %get3A_4, %select_n3A, %dot_general3A {dimension_numbers = #tpu.dot_dimension_numbers<[1], [0], [0], [1], [0, 0, 1, 1], [], []>, transpose_lhs_hint = false} : vector<4x288xf32>, vector<288x288xf32>, vector<4x288xf32> -> vector<4x288xf32>
    %swap3A = arith.constant 0 : index
    %swap3A_6 = arith.constant 0 : index
    %swap3A_7 = vector.load %arg1[%swap3A, %swap3A_6] : memref<4x288xf32, #tpu.memory_space<vmem>>, vector<4x288xf32>
    tpu.vector_store %arg1[%swap3A, %swap3A_6], %dot_general3A_5 {strides = array<i32>} : memref<4x288xf32, #tpu.memory_space<vmem>>, vector<4x288xf32>,
    return
  }
}

module attributes {stable_mosaic.version = 14 : i64} {
  func.func @_dest_body(%arg0: memref<1152x128xf32, #tpu.memory_space<vmem>>, %arg1: memref<1152x128xf32, #tpu.memory_space<vmem>>, %arg2: memref<1152x1xf32, #tpu.memory_space<vmem>>, %arg3: memref<1152x128xi32, #tpu.memory_space<vmem>>) attributes {dimension_semantics = [], scalar_prefetch = 0 : i64, scratch_operands = 0 : i64, tpu.core_type = #tpu.core_type<tc>} {
    %get3A = arith.constant 0 : index
    %get3A_0 = arith.constant 0 : index
    %get3A_1 = vector.load %arg0[%get3A, %get3A_0] : memref<1152x128xf32, #tpu.memory_space<vmem>>, vector<1152x128xf32>
    %gt3A = arith.constant -5.000000e+29 : f32
    %gt3A_2 = vector.broadcast %gt3A : f32 to vector<1152x128xf32>
    %gt3A_3 = arith.cmpf ogt, %get3A_1, %gt3A_2 : vector<1152x128xf32>
    %get3A_4 = arith.constant 0 : index
    %get3A_5 = arith.constant 0 : index
    %get3A_6 = vector.load %arg2[%get3A_4, %get3A_5] : memref<1152x1xf32, #tpu.memory_space<vmem>>, vector<1152x1xf32>
    %get3A_7 = arith.constant 0 : index
    %get3A_8 = arith.constant 0 : index
    %get3A_9 = vector.load %arg1[%get3A_7, %get3A_8] : memref<1152x128xf32, #tpu.memory_space<vmem>>, vector<1152x128xf32>
    %add3A = vector.broadcast %get3A_6 : vector<1152x1xf32> to vector<1152x128xf32>
    %add3A_10 = arith.addf %add3A, %get3A_9 : vector<1152x128xf32>
    %convert_element_type3A = arith.fptosi %add3A_10 : vector<1152x128xf32> to vector<1152x128xi32>
    %iota3A = tpu.iota {dimensions = array<i32: 0>} : vector<1152x1xi32>
    %jit3A = arith.constant 288 : i32
    %div3A = vector.broadcast %jit3A : i32 to vector<1152x1xi32>
    %div3A_11 = arith.divsi %iota3A, %div3A : vector<1152x1xi32>
    %sign3A = arith.constant 0 : i32
    %sign3A_12 = vector.broadcast %sign3A : i32 to vector<1152x1xi32>
    %sign3A_13 = arith.cmpi sgt, %iota3A, %sign3A_12 : vector<1152x1xi32>
    %sign3A_14 = arith.extui %sign3A_13 : vector<1152x1xi1> to vector<1152x1xi32>
    %sign3A_15 = arith.constant 0 : i32
    %sign3A_16 = vector.broadcast %sign3A_15 : i32 to vector<1152x1xi32>
    %sign3A_17 = arith.cmpi slt, %iota3A, %sign3A_16 : vector<1152x1xi32>
    %sign3A_18 = arith.extui %sign3A_17 : vector<1152x1xi1> to vector<1152x1xi32>
    %sign3A_19 = arith.subi %sign3A_14, %sign3A_18 : vector<1152x1xi32>
    %sign3A_20 = arith.constant 0 : i32
    %sign3A_21 = arith.cmpi sgt, %jit3A, %sign3A_20 : i32
    %sign3A_22 = arith.extui %sign3A_21 : i1 to i32
    %sign3A_23 = arith.constant 0 : i32
    %sign3A_24 = arith.cmpi slt, %jit3A, %sign3A_23 : i32
    %sign3A_25 = arith.extui %sign3A_24 : i1 to i32
    %sign3A_26 = arith.subi %sign3A_22, %sign3A_25 : i32
    %ne3A = vector.broadcast %sign3A_26 : i32 to vector<1152x1xi32>
    %ne3A_27 = arith.cmpi ne, %sign3A_19, %ne3A : vector<1152x1xi32>
    %rem3A = vector.broadcast %jit3A : i32 to vector<1152x1xi32>
    %rem3A_28 = arith.remsi %iota3A, %rem3A : vector<1152x1xi32>
    %ne3A_29 = arith.constant 0 : i32
    %ne3A_30 = vector.broadcast %ne3A_29 : i32 to vector<1152x1xi32>
    %ne3A_31 = arith.cmpi ne, %rem3A_28, %ne3A_30 : vector<1152x1xi32>
    %and3A = arith.andi %ne3A_27, %ne3A_31 : vector<1152x1xi1>
    %sub3A = arith.constant 1 : i32
    %sub3A_32 = vector.broadcast %sub3A : i32 to vector<1152x1xi32>
    %sub3A_33 = arith.subi %div3A_11, %sub3A_32 : vector<1152x1xi32>
    %select_n3A = arith.select %and3A, %sub3A_33, %div3A_11 : vector<1152x1xi1>, vector<1152x1xi32>
    %mul3A = arith.constant 6144 : i32
    %mul3A_34 = vector.broadcast %mul3A : i32 to vector<1152x1xi32>
    %mul3A_35 = arith.muli %select_n3A, %mul3A_34 : vector<1152x1xi32>
    %iota3A_36 = tpu.iota {dimensions = array<i32: 1>} : vector<1152x128xi32>
    %and3A_37 = arith.constant 63 : i32
    %and3A_38 = vector.broadcast %and3A_37 : i32 to vector<1152x128xi32>
    %and3A_39 = arith.andi %iota3A_36, %and3A_38 : vector<1152x128xi32>
    %add3A_40 = arith.constant 24576 : i32
    %add3A_41 = vector.broadcast %add3A_40 : i32 to vector<1152x128xi32>
    %add3A_42 = arith.addi %add3A_41, %and3A_39 : vector<1152x128xi32>
    %add3A_43 = vector.broadcast %mul3A_35 : vector<1152x1xi32> to vector<1152x128xi32>
    %add3A_44 = arith.addi %add3A_43, %convert_element_type3A : vector<1152x128xi32>
    %select_n3A_45 = arith.select %gt3A_3, %add3A_44, %add3A_42 : vector<1152x128xi1>, vector<1152x128xi32>
    %swap3A = arith.constant 0 : index
    %swap3A_46 = arith.constant 0 : index
    %swap3A_47 = vector.load %arg3[%swap3A, %swap3A_46] : memref<1152x128xi32, #tpu.memory_space<vmem>>, vector<1152x128xi32>
    tpu.vector_store %arg3[%swap3A, %swap3A_46], %select_n3A_45 {strides = array<i32>} : memref<1152x128xi32, #tpu.memory_space<vmem>>, vector<1152x128xi32>,
    return
  }
}

module attributes {stable_mosaic.version = 14 : i64} {
  func.func @_nms_body(%arg0: memref<4x6144xf32, #tpu.memory_space<vmem>>, %arg1: memref<4x6144xf32, #tpu.memory_space<vmem>>, %arg2: memref<4x6144xf32, #tpu.memory_space<vmem>>, %arg3: memref<4x6144xf32, #tpu.memory_space<vmem>>, %arg4: memref<4x6144xf32, #tpu.memory_space<vmem>>, %arg5: memref<300x4x5xf32, #tpu.memory_space<vmem>>, %arg6: memref<4x6144xf32, #tpu.memory_space<vmem>>, %arg7: memref<4x6144xf32, #tpu.memory_space<vmem>>) attributes {dimension_semantics = [], scalar_prefetch = 0 : i64, scratch_operands = 2 : i64, tpu.core_type = #tpu.core_type<tc>} {
    %iota3A = tpu.iota {dimensions = array<i32: 1>} : vector<4x6144xi32>
    %get3A = arith.constant 0 : index
    %get3A_0 = arith.constant 0 : index
    %get3A_1 = vector.load %arg0[%get3A, %get3A_0] : memref<4x6144xf32, #tpu.memory_space<vmem>>, vector<4x6144xf32>
    %get3A_2 = arith.constant 0 : index
    %get3A_3 = arith.constant 0 : index
    %get3A_4 = vector.load %arg1[%get3A_2, %get3A_3] : memref<4x6144xf32, #tpu.memory_space<vmem>>, vector<4x6144xf32>
    %get3A_5 = arith.constant 0 : index
    %get3A_6 = arith.constant 0 : index
    %get3A_7 = vector.load %arg2[%get3A_5, %get3A_6] : memref<4x6144xf32, #tpu.memory_space<vmem>>, vector<4x6144xf32>
    %get3A_8 = arith.constant 0 : index
    %get3A_9 = arith.constant 0 : index
    %get3A_10 = vector.load %arg3[%get3A_8, %get3A_9] : memref<4x6144xf32, #tpu.memory_space<vmem>>, vector<4x6144xf32>
    %sub3A = arith.subf %get3A_7, %get3A_1 : vector<4x6144xf32>
    %add3A = arith.constant 1.000000e+00 : f32
    %add3A_11 = vector.broadcast %add3A : f32 to vector<4x6144xf32>
    %add3A_12 = arith.addf %sub3A, %add3A_11 : vector<4x6144xf32>
    %sub3A_13 = arith.subf %get3A_10, %get3A_4 : vector<4x6144xf32>
    %add3A_14 = arith.constant 1.000000e+00 : f32
    %add3A_15 = vector.broadcast %add3A_14 : f32 to vector<4x6144xf32>
    %add3A_16 = arith.addf %sub3A_13, %add3A_15 : vector<4x6144xf32>
    %mul3A = arith.mulf %add3A_12, %add3A_16 : vector<4x6144xf32>
    %swap3A = arith.constant 0 : index
    %swap3A_17 = arith.constant 0 : index
    %swap3A_18 = vector.load %arg6[%swap3A, %swap3A_17] : memref<4x6144xf32, #tpu.memory_space<vmem>>, vector<4x6144xf32>
    tpu.vector_store %arg6[%swap3A, %swap3A_17], %mul3A {strides = array<i32>} : memref<4x6144xf32, #tpu.memory_space<vmem>>, vector<4x6144xf32>,
    %lt3A = arith.constant 6000 : i32
    %lt3A_19 = vector.broadcast %lt3A : i32 to vector<4x6144xi32>
    %lt3A_20 = arith.cmpi slt, %iota3A, %lt3A_19 : vector<4x6144xi32>
    %get3A_21 = arith.constant 0 : index
    %get3A_22 = arith.constant 0 : index
    %get3A_23 = vector.load %arg4[%get3A_21, %get3A_22] : memref<4x6144xf32, #tpu.memory_space<vmem>>, vector<4x6144xf32>
    %jit3A = arith.constant -1.000000e+30 : f32
    %broadcast_in_dim3A = vector.broadcast %jit3A : f32 to vector<4x6144xf32>
    %select_n3A = arith.select %lt3A_20, %get3A_23, %broadcast_in_dim3A : vector<4x6144xi1>, vector<4x6144xf32>
    %swap3A_24 = arith.constant 0 : index
    %swap3A_25 = arith.constant 0 : index
    %swap3A_26 = vector.load %arg7[%swap3A_24, %swap3A_25] : memref<4x6144xf32, #tpu.memory_space<vmem>>, vector<4x6144xf32>
    tpu.vector_store %arg7[%swap3A_24, %swap3A_25], %select_n3A {strides = array<i32>} : memref<4x6144xf32, #tpu.memory_space<vmem>>, vector<4x6144xf32>,
    %iota3A_27 = tpu.iota {dimensions = array<i32: 0>} : vector<4x1xi32>
    %convert_element_type3A = arith.sitofp %iota3A_27 : vector<4x1xi32> to vector<4x1xf32>
    %scan3A = arith.constant 0 : i32
    %scan3A_28 = arith.constant 300 : i32
    %scan3A_29 = arith.addi %scan3A, %scan3A_28 : i32
    %scan3A_30 = arith.constant 1 : i32
    scf.for %scan3A_32 = %scan3A to %scan3A_29 step %scan3A_30  : i32 {
      %get3A_33 = arith.constant 0 : index
      %get3A_34 = arith.constant 0 : index
      %get3A_35 = vector.load %arg7[%get3A_33, %get3A_34] : memref<4x6144xf32, #tpu.memory_space<vmem>>, vector<4x6144xf32>
      %reduce_max3A = arith.constant dense<0xFF800000> : vector<4xf32>
      %reduce_max3A_36 = vector.multi_reduction <maximumf>, %get3A_35, %reduce_max3A [1] : vector<4x6144xf32> to vector<4xf32>
      %broadcast_in_dim3A_37 = vector.shape_cast %reduce_max3A_36 : vector<4xf32> to vector<4x1xf32>
      %eq3A = vector.broadcast %broadcast_in_dim3A_37 : vector<4x1xf32> to vector<4x6144xf32>
      %eq3A_38 = arith.cmpf oeq, %get3A_35, %eq3A : vector<4x6144xf32>
      %jit3A_39 = arith.constant 6144 : i32
      %broadcast_in_dim3A_40 = vector.broadcast %jit3A_39 : i32 to vector<4x6144xi32>
      %select_n3A_41 = arith.select %eq3A_38, %iota3A, %broadcast_in_dim3A_40 : vector<4x6144xi1>, vector<4x6144xi32>
      %reduce_min3A = arith.constant dense<2147483647> : vector<4xi32>
      %reduce_min3A_42 = vector.multi_reduction <minsi>, %select_n3A_41, %reduce_min3A [1] : vector<4x6144xi32> to vector<4xi32>
      %broadcast_in_dim3A_43 = vector.shape_cast %reduce_min3A_42 : vector<4xi32> to vector<4x1xi32>
      %eq3A_44 = vector.broadcast %broadcast_in_dim3A_43 : vector<4x1xi32> to vector<4x6144xi32>
      %eq3A_45 = arith.cmpi eq, %iota3A, %eq3A_44 : vector<4x6144xi32>
      %get3A_46 = arith.constant 0 : index
      %get3A_47 = arith.constant 0 : index
      %get3A_48 = vector.load %arg0[%get3A_46, %get3A_47] : memref<4x6144xf32, #tpu.memory_space<vmem>>, vector<4x6144xf32>
      %get3A_49 = arith.constant 0 : index
      %get3A_50 = arith.constant 0 : index
      %get3A_51 = vector.load %arg1[%get3A_49, %get3A_50] : memref<4x6144xf32, #tpu.memory_space<vmem>>, vector<4x6144xf32>
      %get3A_52 = arith.constant 0 : index
      %get3A_53 = arith.constant 0 : index
      %get3A_54 = vector.load %arg2[%get3A_52, %get3A_53] : memref<4x6144xf32, #tpu.memory_space<vmem>>, vector<4x6144xf32>
      %get3A_55 = arith.constant 0 : index
      %get3A_56 = arith.constant 0 : index
      %get3A_57 = vector.load %arg3[%get3A_55, %get3A_56] : memref<4x6144xf32, #tpu.memory_space<vmem>>, vector<4x6144xf32>
      %jit3A_58 = arith.constant -3.000000e+38 : f32
      %broadcast_in_dim3A_59 = vector.broadcast %jit3A_58 : f32 to vector<4x6144xf32>
      %select_n3A_60 = arith.select %eq3A_45, %get3A_48, %broadcast_in_dim3A_59 : vector<4x6144xi1>, vector<4x6144xf32>
      %reduce_max3A_61 = arith.constant dense<0xFF800000> : vector<4xf32>
      %reduce_max3A_62 = vector.multi_reduction <maximumf>, %select_n3A_60, %reduce_max3A_61 [1] : vector<4x6144xf32> to vector<4xf32>
      %broadcast_in_dim3A_63 = vector.shape_cast %reduce_max3A_62 : vector<4xf32> to vector<4x1xf32>
      %jit3A_64 = arith.constant -3.000000e+38 : f32
      %broadcast_in_dim3A_65 = vector.broadcast %jit3A_64 : f32 to vector<4x6144xf32>
      %select_n3A_66 = arith.select %eq3A_45, %get3A_51, %broadcast_in_dim3A_65 : vector<4x6144xi1>, vector<4x6144xf32>
      %reduce_max3A_67 = arith.constant dense<0xFF800000> : vector<4xf32>
      %reduce_max3A_68 = vector.multi_reduction <maximumf>, %select_n3A_66, %reduce_max3A_67 [1] : vector<4x6144xf32> to vector<4xf32>
      %broadcast_in_dim3A_69 = vector.shape_cast %reduce_max3A_68 : vector<4xf32> to vector<4x1xf32>
      %jit3A_70 = arith.constant -3.000000e+38 : f32
      %broadcast_in_dim3A_71 = vector.broadcast %jit3A_70 : f32 to vector<4x6144xf32>
      %select_n3A_72 = arith.select %eq3A_45, %get3A_54, %broadcast_in_dim3A_71 : vector<4x6144xi1>, vector<4x6144xf32>
      %reduce_max3A_73 = arith.constant dense<0xFF800000> : vector<4xf32>
      %reduce_max3A_74 = vector.multi_reduction <maximumf>, %select_n3A_72, %reduce_max3A_73 [1] : vector<4x6144xf32> to vector<4xf32>
      %broadcast_in_dim3A_75 = vector.shape_cast %reduce_max3A_74 : vector<4xf32> to vector<4x1xf32>
      %jit3A_76 = arith.constant -3.000000e+38 : f32
      %broadcast_in_dim3A_77 = vector.broadcast %jit3A_76 : f32 to vector<4x6144xf32>
      %select_n3A_78 = arith.select %eq3A_45, %get3A_57, %broadcast_in_dim3A_77 : vector<4x6144xi1>, vector<4x6144xf32>
      %reduce_max3A_79 = arith.constant dense<0xFF800000> : vector<4xf32>
      %reduce_max3A_80 = vector.multi_reduction <maximumf>, %select_n3A_78, %reduce_max3A_79 [1] : vector<4x6144xf32> to vector<4xf32>
      %broadcast_in_dim3A_81 = vector.shape_cast %reduce_max3A_80 : vector<4xf32> to vector<4x1xf32>
      %sub3A_82 = arith.subf %broadcast_in_dim3A_75, %broadcast_in_dim3A_63 : vector<4x1xf32>
      %add3A_83 = arith.constant 1.000000e+00 : f32
      %add3A_84 = vector.broadcast %add3A_83 : f32 to vector<4x1xf32>
      %add3A_85 = arith.addf %sub3A_82, %add3A_84 : vector<4x1xf32>
      %sub3A_86 = arith.subf %broadcast_in_dim3A_81, %broadcast_in_dim3A_69 : vector<4x1xf32>
      %add3A_87 = arith.constant 1.000000e+00 : f32
      %add3A_88 = vector.broadcast %add3A_87 : f32 to vector<4x1xf32>
      %add3A_89 = arith.addf %sub3A_86, %add3A_88 : vector<4x1xf32>
      %mul3A_90 = arith.mulf %add3A_85, %add3A_89 : vector<4x1xf32>
      %gt3A = arith.constant -5.000000e+29 : f32
      %gt3A_91 = vector.broadcast %gt3A : f32 to vector<4x1xf32>
      %gt3A_92 = arith.cmpf ogt, %broadcast_in_dim3A_37, %gt3A_91 : vector<4x1xf32>
      %convert_element_type3A_93 = arith.extui %gt3A_92 : vector<4x1xi1> to vector<4x1xi32>
      %convert_element_type3A_94 = arith.sitofp %convert_element_type3A_93 : vector<4x1xi32> to vector<4x1xf32>
      %max3A = vector.broadcast %broadcast_in_dim3A_63 : vector<4x1xf32> to vector<4x6144xf32>
      %max3A_95 = arith.maximumf %max3A, %get3A_48 : vector<4x6144xf32>
      %max3A_96 = vector.broadcast %broadcast_in_dim3A_69 : vector<4x1xf32> to vector<4x6144xf32>
      %max3A_97 = arith.maximumf %max3A_96, %get3A_51 : vector<4x6144xf32>
      %min3A = vector.broadcast %broadcast_in_dim3A_75 : vector<4x1xf32> to vector<4x6144xf32>
      %min3A_98 = arith.minimumf %min3A, %get3A_54 : vector<4x6144xf32>
      %min3A_99 = vector.broadcast %broadcast_in_dim3A_81 : vector<4x1xf32> to vector<4x6144xf32>
      %min3A_100 = arith.minimumf %min3A_99, %get3A_57 : vector<4x6144xf32>
      %sub3A_101 = arith.subf %min3A_98, %max3A_95 : vector<4x6144xf32>
      %add3A_102 = arith.constant 1.000000e+00 : f32
      %add3A_103 = vector.broadcast %add3A_102 : f32 to vector<4x6144xf32>
      %add3A_104 = arith.addf %sub3A_101, %add3A_103 : vector<4x6144xf32>
      %max3A_105 = arith.constant 0.000000e+00 : f32
      %max3A_106 = vector.broadcast %max3A_105 : f32 to vector<4x6144xf32>
      %max3A_107 = arith.maximumf %add3A_104, %max3A_106 : vector<4x6144xf32>
      %sub3A_108 = arith.subf %min3A_100, %max3A_97 : vector<4x6144xf32>
      %add3A_109 = arith.constant 1.000000e+00 : f32
      %add3A_110 = vector.broadcast %add3A_109 : f32 to vector<4x6144xf32>
      %add3A_111 = arith.addf %sub3A_108, %add3A_110 : vector<4x6144xf32>
      %max3A_112 = arith.constant 0.000000e+00 : f32
      %max3A_113 = vector.broadcast %max3A_112 : f32 to vector<4x6144xf32>
      %max3A_114 = arith.maximumf %add3A_111, %max3A_113 : vector<4x6144xf32>
      %mul3A_115 = arith.mulf %max3A_107, %max3A_114 : vector<4x6144xf32>
      %get3A_116 = arith.constant 0 : index
      %get3A_117 = arith.constant 0 : index
      %get3A_118 = vector.load %arg6[%get3A_116, %get3A_117] : memref<4x6144xf32, #tpu.memory_space<vmem>>, vector<4x6144xf32>
      %add3A_119 = vector.broadcast %mul3A_90 : vector<4x1xf32> to vector<4x6144xf32>
      %add3A_120 = arith.addf %add3A_119, %get3A_118 : vector<4x6144xf32>
      %sub3A_121 = arith.subf %add3A_120, %mul3A_115 : vector<4x6144xf32>
      %div3A = arith.divf %mul3A_115, %sub3A_121 : vector<4x6144xf32>
      %gt3A_122 = arith.constant 0.699999988 : f32
      %gt3A_123 = vector.broadcast %gt3A_122 : f32 to vector<4x6144xf32>
      %gt3A_124 = arith.cmpf ogt, %div3A, %gt3A_123 : vector<4x6144xf32>
      %or3A = arith.ori %gt3A_124, %eq3A_45 : vector<4x6144xi1>
      %jit3A_125 = arith.constant -1.000000e+30 : f32
      %broadcast_in_dim3A_126 = vector.broadcast %jit3A_125 : f32 to vector<4x6144xf32>
      %select_n3A_127 = arith.select %or3A, %broadcast_in_dim3A_126, %get3A_35 : vector<4x6144xi1>, vector<4x6144xf32>
      %swap3A_128 = arith.constant 0 : index
      %swap3A_129 = arith.constant 0 : index
      %swap3A_130 = vector.load %arg7[%swap3A_128, %swap3A_129] : memref<4x6144xf32, #tpu.memory_space<vmem>>, vector<4x6144xf32>
      tpu.vector_store %arg7[%swap3A_128, %swap3A_129], %select_n3A_127 {strides = array<i32>} : memref<4x6144xf32, #tpu.memory_space<vmem>>, vector<4x6144xf32>,
      %mul3A_131 = arith.mulf %broadcast_in_dim3A_63, %convert_element_type3A_94 : vector<4x1xf32>
      %mul3A_132 = arith.mulf %broadcast_in_dim3A_69, %convert_element_type3A_94 : vector<4x1xf32>
      %mul3A_133 = arith.mulf %broadcast_in_dim3A_75, %convert_element_type3A_94 : vector<4x1xf32>
      %mul3A_134 = arith.mulf %broadcast_in_dim3A_81, %convert_element_type3A_94 : vector<4x1xf32>
      %concatenate3A = tpu.concatenate %convert_element_type3A, %mul3A_131, %mul3A_132, %mul3A_133, %mul3A_134 in 1 : vector<4x1xf32>, vector<4x1xf32>, vector<4x1xf32>, vector<4x1xf32>, vector<4x1xf32> -> vector<4x5xf32>
      %swap3A_135 = arith.index_cast %scan3A_32 : i32 to index
      %swap3A_136 = arith.constant 0 : index
      %swap3A_137 = arith.constant 0 : index
      %swap3A_138 = vector.load %arg5[%swap3A_135, %swap3A_136, %swap3A_137] : memref<300x4x5xf32, #tpu.memory_space<vmem>>, vector<1x4x5xf32>
      %swap3A_139 = vector.shape_cast %swap3A_138 : vector<1x4x5xf32> to vector<4x5xf32>
      %swap3A_140 = vector.shape_cast %concatenate3A : vector<4x5xf32> to vector<1x4x5xf32>
      tpu.vector_store %arg5[%swap3A_135, %swap3A_136, %swap3A_137], %swap3A_140 {strides = array<i32>} : memref<300x4x5xf32, #tpu.memory_space<vmem>>, vector<1x4x5xf32>,
    }
    %scan3A_31 = arith.constant 300 : i32
    return
  }
}

</mosaic_0001>

<sc_bundles>
// kernel: kernel.8.cloned.1.call-start
scs
__scs_entry_jumppad:
0x0: {  	(pc) =	sbr.rel $0x88, $3  }
0x1: {  	(tag) =	ssettag $0x0;
	lr =	simm.s32 $0x1  }
0x2: {  	[smem:$0x3F9E] =	sst lr;
	_ =	strace $0xD0000000  }
0x3: {  	_ = 	snop  }
0x4: {  	_ = 	snop  }
0x5: {  	_ = 	snop  }
0x6: {  	_ = 	snop  }
0x7: {  	_ = 	snop  }
__scs_overlays_trampoline_lowered:
0x8: {  	[smem:$0x3FAD] =	sst s0  }
0x9: {  	[smem:$0x3FAE] =	sst s1  }
0xa: {  	[smem:$0x3FAF] =	sst s2  }
0xb: {  	[smem:$0x3FB0] =	sst s3  }
0xc: {  	[smem:$0x3FB1] =	sst s4  }
0xd: {  	[smem:$0x3FB2] =	sst s5  }
0xe: {  	[smem:$0x3FB3] =	sst s6  }
0xf: {  	[smem:$0x3FB4] =	sst s7  }
0x10: {  	[smem:$0x3FB5] =	sst s8  }
0x11: {  	[smem:$0x3FB6] =	sst s9;
	s0 =	simm.s32 @!p0 $0x0  }
0x12: {  	s1 =	sld [smem:$0x3F9C];
	s0 =	simm.s32 @p0 $0x1  }
0x13: {  	[smem:$0x3FB7] =	sst s0;
	s0 =	simm.s32 @!p1 $0x0  }
0x14: {  	s2 =	sld [smem:$0x3F9B];
	s0 =	simm.s32 @p1 $0x1  }
0x15: {  	[smem:$0x3FB8] =	sst s0;
	s0 =	simm.s32 @!p2 $0x0  }
0x16: {  	s3 =	sld [smem:$0x3FDB];
	s0 =	simm.s32 @p2 $0x1  }
0x17: {  	s4 =	simm.s32 $0x1BF5;
	[smem:$0x3FBA] =	sst s0  }
0x18: {  	s0 =	sld [smem:$0x3F9D];
	_ =	swait.ge [sflag:s4], $0x0  }
0x19: {  	s7 =	sld [smem:$0x3F9E]  }
0x1a: {  	s8 =	sadd.s32 $0xFFFFE003, lr  }
0x1b: {  	s9 =	sadd.s32 $0xFFFFFEF7, lr;
	s5 =	simm.s32 $0xFFFFFFFF;
	p2 =	slt.u32 s8, $0xFFFFF086  }
0x1c: {  	p1 =	slt.u32 s9, $0xF7A;
	s5 =	simm.s32 @!p2 $0x0  }
0x1d: {  	s5 =	simm.s32 @p1 $0x1;
	p0 =	seq.s32 s7, s2  }
0x1e: {  	s7 =	smul.u32 @!p0 $0xF7A, s2;
	p2 =	seq.s32 @!p0 s5, $0x0  }
0x1f: {  	s9 =	smul.u32 $0xF7A, s1;
	s8 =	simm.s32 @!p0 $0x1BF5;
	p2 =	por !p2, p0  }
0x20: {  	[sflag:s8] =	ssyncset.s32 @!p0 $0xFFFFF086;
	s6 =	sadd.s32 @!p0 s3, s7;
	s7 =	simm.s32 @!p0 $0x108  }
0x21: {  	s3 =	sadd.s32 s3, s9;
	s6 =	sadd.s32 @!p0 $0x88, s6;
	s7 =	simm.s32 @p2 $0x1082  }
0x22: {  	[simem:s7], [sflag:s8] =	dma.local @!p0 [hbm:s6], $0xF7A  }
0x23: {  	s9 =	sor.u32 $0xD0000000, s2;
	s6 =	simm.s32 $0x108;
	_ =	swait.ge @!p0 [sflag:s8], $0x0  }
0x24: {  	s3 =	sadd.s32 $0x88, s3;
	s6 =	simm.s32 @!p1 $0x1082;
	[sflag:s4] =	ssyncset.s32 $0xFFFFF086  }
0x25: {  	[simem:s6], [sflag:s4] =	dma.local [hbm:s3], $0xF7A  }
0x26: {  	[smem:$0x3F9E] =	sst s1;
	(tag) =	ssettag s2;
	_ =	strace s9  }
0x27: {  	s1 =	sld [smem:$0x3FAE]  }
0x28: {  	s2 =	sld [smem:$0x3FAF]  }
0x29: {  	s4 =	sld [smem:$0x3FB1]  }
0x2a: {  	p0 =	seq.s32 s5, $0x0;
	s5 =	sld [smem:$0x3FB2]  }
0x2b: {  	s6 =	sld [smem:$0x3FB3]  }
0x2c: {  	s7 =	sld [smem:$0x3FB4]  }
0x2d: {  	s3 =	simm.s32 $0x108;
	s8 =	sld [smem:$0x3FB5]  }
0x2e: {  	s3 =	simm.s32 @!p0 $0x1082;
	s9 =	sld [smem:$0x3FB6]  }
0x2f: {  	lr =	sadd.s32 s0, s3;
	s0 =	sld [smem:$0x3FAD]  }
0x30: {  	s3 =	sld [smem:$0x3FB0]  }
0x31: {  	[smem:$0x3FB9] =	sst s10  }
0x32: {  	s10 =	sld [smem:$0x3FB7];
	_ =	sdelay $0x3  }
0x33: {  	p0 =	seq.s32 s10, $0x1;
	s10 =	sld [smem:$0x3FB9];
	_ =	sdelay $0x3  }
0x34: {  	[smem:$0x3FB9] =	sst s10  }
0x35: {  	s10 =	sld [smem:$0x3FB8];
	_ =	sdelay $0x3  }
0x36: {  	p1 =	seq.s32 s10, $0x1;
	s10 =	sld [smem:$0x3FB9];
	_ =	sdelay $0x3  }
0x37: {  	[smem:$0x3FB9] =	sst s10  }
0x38: {  	s10 =	sld [smem:$0x3FBA]  }
0x39: {  	_ = 	snop;
	(pc) =	sbr.ind lr, $3  }
0x3a: {  	_ = 	snop  }
0x3b: {  	_ = 	snop  }
0x3c: {  	p2 =	seq.s32 s10, $0x1;
	s10 =	sld [smem:$0x3FB9]  }
0x3d: {  	_ =	shalt  }
0x3e: {  	_ =	shalt  }
0x3f: {  	_ =	shalt  }
0x40: {  	_ =	shalt  }
0x41: {  	_ =	shalt  }
0x42: {  	_ =	shalt  }
0x43: {  	_ =	shalt  }
0x44: {  	_ =	shalt  }
0x45: {  	_ =	shalt  }
0x46: {  	_ =	shalt  }
0x47: {  	_ =	shalt  }
0x48: {  	_ =	shalt  }
0x49: {  	_ =	shalt  }
0x4a: {  	_ =	shalt  }
0x4b: {  	_ =	shalt  }
0x4c: {  	_ =	shalt  }
0x4d: {  	_ =	shalt  }
0x4e: {  	_ =	shalt  }
0x4f: {  	_ =	shalt  }
0x50: {  	_ =	shalt  }
0x51: {  	_ =	shalt  }
0x52: {  	_ =	shalt  }
0x53: {  	_ =	shalt  }
0x54: {  	_ =	shalt  }
0x55: {  	_ =	shalt  }
0x56: {  	_ =	shalt  }
0x57: {  	_ =	shalt  }
0x58: {  	_ =	shalt  }
0x59: {  	_ =	shalt  }
0x5a: {  	_ =	shalt  }
0x5b: {  	_ =	shalt  }
0x5c: {  	_ =	shalt  }
0x5d: {  	_ =	shalt  }
0x5e: {  	_ =	shalt  }
0x5f: {  	_ =	shalt  }
0x60: {  	_ =	shalt  }
0x61: {  	_ =	shalt  }
0x62: {  	_ =	shalt  }
0x63: {  	_ =	shalt  }
0x64: {  	_ =	shalt  }
0x65: {  	_ =	shalt  }
0x66: {  	_ =	shalt  }
0x67: {  	_ =	shalt  }
0x68: {  	_ =	shalt  }
0x69: {  	_ =	shalt  }
0x6a: {  	_ =	shalt  }
0x6b: {  	_ =	shalt  }
0x6c: {  	_ =	shalt  }
0x6d: {  	_ =	shalt  }
0x6e: {  	_ =	shalt  }
0x6f: {  	_ =	shalt  }
0x70: {  	_ =	shalt  }
0x71: {  	_ =	shalt  }
0x72: {  	_ =	shalt  }
0x73: {  	_ =	shalt  }
0x74: {  	_ =	shalt  }
0x75: {  	_ =	shalt  }
0x76: {  	_ =	shalt  }
0x77: {  	_ =	shalt  }
0x78: {  	_ =	shalt  }
0x79: {  	_ =	shalt  }
0x7a: {  	_ =	shalt  }
0x7b: {  	_ =	shalt  }
0x7c: {  	_ =	shalt  }
0x7d: {  	_ =	shalt  }
0x7e: {  	_ =	shalt  }
0x7f: {  	_ =	shalt  }
0x80: {  	_ =	shalt  }
0x81: {  	_ =	shalt  }
0x82: {  	_ =	shalt  }
0x83: {  	_ =	shalt  }
0x84: {  	_ =	shalt  }
0x85: {  	_ =	shalt  }
0x86: {  	_ =	shalt  }
0x87: {  	_ =	shalt  }
.Lfunc_end0:
.L_simem_size_0:
called_computation_lowered:
.L_overlay_start_0:
0x88: {  	s2 =	sld [smem:$0x3FD9]  }
0x89: {  	s3 =	sld [smem:$0x3FFE];
	_ =	sdelay $0x1  }
0x8a: {  	s1 =	srdreg.scid  }
0x8b: {  	s0 =	sand.u32 $0x1, s1  }
0x8c: {  	s16 =	sshll.u32 s0, $0xA;
	s2 =	sadd.s32 s3, s2  }
0x8d: {  	s2 =	sadd.s32 s2, s16  }
0x8e: {  	[smem:$0x3FC5] =	sst s2  }
0x8f: {  	_ = 	snop  }
0x90: {  	(tm) =	ssettm $0x1  }
0x91: {  	s17 =	sld [smem:$0x3FFB];
	_ =	sdelay $0x3  }
0x92: {  	_ =	strace s17  }
0x93: {  	s2 =	sld [smem:$0x3FFC];
	_ =	sdelay $0x3  }
0x94: {  	_ =	strace s2  }
0x95: {  	s2 =	sld [smem:$0x3FFD];
	_ =	sdelay $0x3  }
0x96: {  	_ =	strace s2  }
0x97: {  	_ =	strace $0x8FFFFFFF  }
0x98: {  	s18 =	sld [smem:$0x3FDB];
	_ =	sdelay $0x1  }
0x99: {  	s19 =	simm.s32 $_scs_section_size  }
0x9a: {  	s4 =	simm.s32 $_size__tile_overlayer_lowered;
	s5 =	simm.s32 $_tile_overlayer_lowered  }
0x9b: {  	s22 =	simm.s32 $0x1BFF;
	s21 =	sshll.u32 s5, $0x1;
	s2 =	sadd.s32 s19, s18  }
0x9c: {  	s6 =	simm.s32 $0x0;
	s20 =	sshll.u32 s4, $0x1;
	s4 =	sadd.s32 s21, s2  }
0x9d: {  	[timem:s6], [sflag:s22] =	dma.local [hbm:s4], s20  }
0x9e: {  	_ =	swait.ge [sflag:s22], s20  }
0x9f: {  	s3 =	ssub.s32 $0x0, s20;
	[sflag:s22] =	ssyncset.done $0x0  }
0xa0: {  	[sflag:s22] =	ssyncadd.s32 s3;
	_ =	sdelay $0x1  }
0xa1: {  	s23 =	simm.s32 $0x1B8B  }
0xa2: {  	_ =	swait.ge [sflag:s23], $0x1  }
0xa3: {  	[sflag:s23] =	ssyncset.done $0x0  }
0xa4: {  	s25 =	simm.s32 $0x1B8E;
	s24 =	sld [smem:$0x3FFE];
	[sflag:s23] =	ssyncadd.s32 $0xFFFFFFFF  }
0xa5: {  	s26 =	simm.s32 $execute0_lowered;
	[smem:$0x3FD2] =	sst s25  }
0xa6: {  	s4 =	sshll.u32 s26, $0x1;
	_ =	strace $0x80000046;
	[dreg:$0x1] =	wrdreg $0xFFFFFFFF  }
0xa7: {  	s28 =	simm.s32 $_size_execute0_lowered;
	s2 =	sadd.s32 s2, s4;
	[dreg:$0x0] =	wrdreg $0x0  }
0xa8: {  	s4 =	sshll.u32 s28, $0x1;
	[dreg:$0x2] =	wrdreg s2  }
0xa9: {  	[dreg:$0x3] =	wrdreg s4  }
0xaa: {  	[dreg:$0x4] =	wrdreg $0xC0  }
0xab: {  	_ =	task [dreg:s6], $0x5FFFF  }
0xac: {  	[dreg:$0x1] =	wrdreg $0xFFFFFFFF  }
0xad: {  	[dreg:$0x0] =	wrdreg $0x60  }
0xae: {  	[dreg:$0x2] =	wrdreg s24  }
0xaf: {  	[dreg:$0x3] =	wrdreg $0x9  }
0xb0: {  	_ =	task.clear_ibuf [dreg:s6], $0x4FFFF;
	_ =	strace $0x90000046  }
0xb1: {  	s29 =	simm.s32 $0x9;
	_ =	strace $0x80000048  }
0xb2: {  	_ =	swait.ge [sflag:s29], $0x1  }
0xb3: {  	[sflag:s29] =	ssyncadd.s32 $0xFFFFFFFF  }
0xb4: {  	_ =	strace $0x90000048  }
0xb5: {  	_ =	sfence  }
0xb6: {  	s30 =	sld [smem:$0x0];
	_ =	sdelay $0x2  }
0xb7: {  	s31 =	sshll.u32 s1, $0xD;
	s1 =	sshrl.u32 s1, $0x2  }
0xb8: {  	s3 =	sand.u32 $0x4000, s31;
	s1 =	sadd.s32 s1, s30  }
0xb9: {  	s0 =	sor.u32 s3, s0;
	s1 =	sshll.u32 s1, $0x11  }
0xba: {  	s0 =	sor.u32 s1, s0  }
0xbb: {  	s0 =	sadd.s32 $0x8F2B, s0  }
0xbc: {  	[sflag:s0] =	ssyncadd.remote.s32 $0x1  }
0xbd: {  	_ =	sfence.sel $0xFFFF  }
0xbe: {  	[dreg:$0x0] =	wrdreg $0xFFFFFFFF;
	(pc) =	sbr.abs _section_cstart, $3  }
0xbf: {  	[dreg:$0x1] =	wrdreg $0xFFFFFFFF  }
0xc0: {  	_ =	task.clear_ibuf [dreg:s6], $0x2FFFF;
	_ =	strace $0x9FFFFFFF  }
0xc1: {  	(tm) =	ssettm $0x7FFFFFFF  }
tec
execute0_lowered:
.L_overlay_start_1:
0x0: {  	(tag) =	ssettag $0x1  }
0x1: {  	s0 =	srdreg.scid;
	s7 =	rddreg [dreg:$0x0];
	s2 =	simm.s32 $0x0  }
0x2: {  	s15 =	simm.s32 $0x2;
	s16 =	simm.s32 $0x1400;
	s17 =	simm.s32 $0x2800  }
0x3: {  	s18 =	simm.s32 $0x3C00;
	s19 =	simm.s32 $0x5000;
	s20 =	simm.s32 $0x6400  }
0x4: {  	s21 =	simm.s32 $0x80;
	s22 =	simm.s32 $0x1;
	s23 =	simm.s32 $0x0  }
0x5: {  	s5 =	sand.u32 $0x1, s0;
	s0 =	stileid.u32;
	[smem:$0x7FF] =	sst s2  }
0x6: {  	s4 =	sadd.s32 $0x20600, s7;
	s1 =	sshll.u32 s5, $0x4;
	s8 =	ssub.s32 $0x2, s5  }
0x7: {  	s6 =	sadd.s32 $0x22200, s7;
	s3 =	sor.u32 s0, s1;
	s9 =	sshrl.u32 s8, $0x1  }
0x8: {  	s5 =	sadd.s32 $0x21400, s7;
	s3 =	smul.u32 $0x280, s3;
	s14 =	ssub.s32 s8, s9  }
0x9: {  	s1 =	rddreg [dreg:$0x1];
	_ =	strace $0x80000047;
	s14 =	smax.u32 s14, $0x1  }
0xa: {  	s13 =	sadd.s32 s3, s7;
	s3 =	sadd.s32 $0x1F800, s7;
	s7 =	sadd.s32 $0x23000, s7  }
0xb: {  	s8 =	sadd.s32 $0xB800, s13;
	s9 =	sadd.s32 $0x10800, s13;
	s10 =	sadd.s32 $0x15800, s13  }
0xc: {  	s11 =	sadd.s32 $0x1A800, s13;
	s12 =	sadd.s32 $0x1800, s13;
	s13 =	sadd.s32 $0x6800, s13  }
.LBB2_1:
0xd: {  	[tilespmem:s2], [sflag:$0x2] =	stream.linear.gather [hbm4b:s8+s2], $0x1200, $0x38;
	[tilespmem:$0x7800] =	vst v63  }
0xe: {  	_ =	swait.ge [sflag:s15], $0x1200  }
0xf: {  	[sflag:s15] =	ssyncset.done $0x0  }
0x10: {  	[sflag:s15] =	ssyncadd.s32 $0xFFFFEE00  }
0x11: {  	[tilespmem:s16], [sflag:$0x2] =	stream.linear.gather [hbm4b:s9+s2], $0x1200, $0x38;
	[tilespmem:$0x7800] =	vst v63  }
0x12: {  	_ =	swait.ge [sflag:s15], $0x1200  }
0x13: {  	[sflag:s15] =	ssyncset.done $0x0  }
0x14: {  	[sflag:s15] =	ssyncadd.s32 $0xFFFFEE00  }
0x15: {  	[tilespmem:s17], [sflag:$0x2] =	stream.linear.gather [hbm4b:s10+s2], $0x1200, $0x38;
	[tilespmem:$0x7800] =	vst v63  }
0x16: {  	_ =	swait.ge [sflag:s15], $0x1200  }
0x17: {  	[sflag:s15] =	ssyncset.done $0x0  }
0x18: {  	[sflag:s15] =	ssyncadd.s32 $0xFFFFEE00  }
0x19: {  	[tilespmem:s18], [sflag:$0x2] =	stream.linear.gather [hbm4b:s11+s2], $0x1200, $0x38;
	[tilespmem:$0x7800] =	vst v63  }
0x1a: {  	_ =	swait.ge [sflag:s15], $0x1200  }
0x1b: {  	[sflag:s15] =	ssyncset.done $0x0  }
0x1c: {  	[sflag:s15] =	ssyncadd.s32 $0xFFFFEE00  }
0x1d: {  	[tilespmem:s19], [sflag:$0x2] =	stream.linear.gather [hbm4b:s12+s2], $0x1200, $0x38;
	[tilespmem:$0x7800] =	vst v63  }
0x1e: {  	_ =	swait.ge [sflag:s15], $0x1200  }
0x1f: {  	[sflag:s15] =	ssyncset.done $0x0  }
0x20: {  	[sflag:s15] =	ssyncadd.s32 $0xFFFFEE00  }
0x21: {  	[tilespmem:s20], [sflag:$0x2] =	stream.linear.gather [hbm4b:s13+s2], $0x1200, $0x38;
	[tilespmem:$0x7800] =	vst v63  }
0x22: {  	_ =	swait.ge [sflag:s15], $0x1200  }
0x23: {  	s24 =	simm.s32 $0x200;
	[sflag:s15] =	ssyncset.done $0x0  }
0x24: {  	s25 =	simm.s32 $0x0;
	s26 =	simm.s32 $0x6400;
	[sflag:s15] =	ssyncadd.s32 $0xFFFFEE00  }
.LBB2_2:
0x25: {  	[hbm4b:s3+s21] =	stream.indirect.scatter [tilespmem:s25], [sflag:$0x1], $0x1, s26, s21, $0xb8;
	[tilespmem:$0x7800] =	vst v63  }
0x26: {  	s25 =	smov.u32 s24;
	p0 =	sne.s32 s24, $0x4600  }
.Ltmp0:
0x27: {  	s24 =	sadd.s32 $0x200, s24;
	(pc) =	sbr.rel @p0 .LBB2_2-.Ltmp0, $3  }
0x28: {  	_ =	sdelay $0x1  }
0x29: {  	s25 =	sshra.s32 s25, $0x2  }
0x2a: {  	s26 =	sadd.s32 $0x6400, s25  }
0x2b: {  	[hbm4b:s3+s21] =	stream.indirect.scatter [tilespmem:s25], [sflag:$0x1], $0x1, s26, s21, $0xb8;
	[tilespmem:$0x7800] =	vst v63  }
0x2c: {  	s24 =	simm.s32 $0x200;
	s25 =	simm.s32 $0x1400;
	s26 =	simm.s32 $0x6400  }
.LBB2_4:
0x2d: {  	[hbm4b:s4+s21] =	stream.indirect.scatter [tilespmem:s25], [sflag:$0x1], $0x1, s26, s21, $0xb8;
	[tilespmem:$0x7800] =	vst v63  }
0x2e: {  	s25 =	smov.u32 s24;
	p0 =	sne.s32 s24, $0x4600  }
.Ltmp1:
0x2f: {  	s24 =	sadd.s32 $0x200, s24;
	(pc) =	sbr.rel @p0 .LBB2_4-.Ltmp1, $3  }
0x30: {  	_ =	sdelay $0x1  }
0x31: {  	s26 =	sshra.s32 s25, $0x2  }
0x32: {  	s25 =	sadd.s32 $0x1400, s26;
	s26 =	sadd.s32 $0x6400, s26  }
0x33: {  	[hbm4b:s4+s21] =	stream.indirect.scatter [tilespmem:s25], [sflag:$0x1], $0x1, s26, s21, $0xb8;
	[tilespmem:$0x7800] =	vst v63  }
0x34: {  	s24 =	simm.s32 $0x200;
	s25 =	simm.s32 $0x2800;
	s26 =	simm.s32 $0x6400  }
.LBB2_6:
0x35: {  	[hbm4b:s5+s21] =	stream.indirect.scatter [tilespmem:s25], [sflag:$0x1], $0x1, s26, s21, $0xb8;
	[tilespmem:$0x7800] =	vst v63  }
0x36: {  	s25 =	smov.u32 s24;
	p0 =	sne.s32 s24, $0x4600  }
.Ltmp2:
0x37: {  	s24 =	sadd.s32 $0x200, s24;
	(pc) =	sbr.rel @p0 .LBB2_6-.Ltmp2, $3  }
0x38: {  	_ =	sdelay $0x1  }
0x39: {  	s26 =	sshra.s32 s25, $0x2  }
0x3a: {  	s25 =	sadd.s32 $0x2800, s26;
	s26 =	sadd.s32 $0x6400, s26  }
0x3b: {  	[hbm4b:s5+s21] =	stream.indirect.scatter [tilespmem:s25], [sflag:$0x1], $0x1, s26, s21, $0xb8;
	[tilespmem:$0x7800] =	vst v63  }
0x3c: {  	s24 =	simm.s32 $0x200;
	s25 =	simm.s32 $0x3C00;
	s26 =	simm.s32 $0x6400  }
.LBB2_8:
0x3d: {  	[hbm4b:s6+s21] =	stream.indirect.scatter [tilespmem:s25], [sflag:$0x1], $0x1, s26, s21, $0xb8;
	[tilespmem:$0x7800] =	vst v63  }
0x3e: {  	s25 =	smov.u32 s24;
	p0 =	sne.s32 s24, $0x4600  }
.Ltmp3:
0x3f: {  	s24 =	sadd.s32 $0x200, s24;
	(pc) =	sbr.rel @p0 .LBB2_8-.Ltmp3, $3  }
0x40: {  	_ =	sdelay $0x1  }
0x41: {  	s26 =	sshra.s32 s25, $0x2  }
0x42: {  	s25 =	sadd.s32 $0x3C00, s26;
	s26 =	sadd.s32 $0x6400, s26  }
0x43: {  	[hbm4b:s6+s21] =	stream.indirect.scatter [tilespmem:s25], [sflag:$0x1], $0x1, s26, s21, $0xb8;
	[tilespmem:$0x7800] =	vst v63  }
0x44: {  	s24 =	simm.s32 $0x200;
	s25 =	simm.s32 $0x5000;
	s26 =	simm.s32 $0x6400  }
.LBB2_10:
0x45: {  	[hbm4b:s7+s21] =	stream.indirect.scatter [tilespmem:s25], [sflag:$0x1], $0x1, s26, s21, $0xb8;
	[tilespmem:$0x7800] =	vst v63  }
0x46: {  	s25 =	smov.u32 s24;
	p0 =	sne.s32 s24, $0x4600  }
.Ltmp4:
0x47: {  	s24 =	sadd.s32 $0x200, s24;
	(pc) =	sbr.rel @p0 .LBB2_10-.Ltmp4, $3  }
0x48: {  	_ =	sdelay $0x1  }
0x49: {  	s26 =	sshra.s32 s25, $0x2  }
0x4a: {  	s25 =	sadd.s32 $0x5000, s26;
	s26 =	sadd.s32 $0x6400, s26  }
0x4b: {  	[hbm4b:s7+s21] =	stream.indirect.scatter [tilespmem:s25], [sflag:$0x1], $0x1, s26, s21, $0xb8;
	[tilespmem:$0x7800] =	vst v63  }
0x4c: {  	_ =	swait.ge [sflag:s22], $0x1200  }
0x4d: {  	[sflag:s22] =	ssyncset.done $0x0  }
0x4e: {  	[sflag:s22] =	ssyncadd.s32 $0xFFFFEE00  }
0x4f: {  	_ =	swait.ge [sflag:s22], $0x1200  }
0x50: {  	[sflag:s22] =	ssyncset.done $0x0  }
0x51: {  	[sflag:s22] =	ssyncadd.s32 $0xFFFFEE00  }
0x52: {  	_ =	swait.ge [sflag:s22], $0x1200  }
0x53: {  	[sflag:s22] =	ssyncset.done $0x0  }
0x54: {  	s23 =	sadd.s32 $0x1, s23;
	[sflag:s22] =	ssyncadd.s32 $0xFFFFEE00  }
0x55: {  	p0 =	sne.s32 s23, s14;
	_ =	swait.ge [sflag:s22], $0x1200  }
.Ltmp5:
0x56: {  	[sflag:s22] =	ssyncset.done $0x0;
	(pc) =	sbr.rel @p0 .LBB2_1-.Ltmp5, $4  }
0x57: {  	[sflag:s22] =	ssyncadd.s32 $0xFFFFEE00  }
0x58: {  	_ =	swait.ge [sflag:s22], $0x1200  }
0x59: {  	[sflag:s22] =	ssyncset.done $0x0  }
0x5a: {  	[sflag:s22] =	ssyncadd.s32 $0xFFFFEE00  }
0x5b: {  	_ =	sfence.sel $0x180000  }
0x5c: {  	[bflag:$0x0] =	sbarrier.arrive $0xFFFF  }
0x5d: {  	p0 =	sne.s32 s0, $0x0;
	_ =	strace $0x90000047  }
0x5e: {  	s0 =	sadd.s32 @!p0 $0x100000, s1;
	[bflag:$0x2] =	sbarrier.arrive $0xFFFF  }
0x5f: {  	[sflag:s0] =	ssyncadd.tile.s32 @!p0 $0x1;
	_ =	shalt  }
.Lfunc_end2:
_tile_overlayer_lowered:
.L_overlay_start_2:
0x60: {  	(tag) =	ssettag $0x2  }
0x61: {  	s0 =	rddreg [dreg:$0x0];
	s2 =	stileid.u32  }
0x62: {  	s1 =	rddreg [dreg:$0x1];
	p0 =	sne.s32 s2, $0x0  }
0x63: {  	s3 =	rddreg [dreg:$0x2];
	[bflag:$0x3] =	sbarrier.arrive $0xFFFF;
	s2 =	simm.s32 @!p0 $0x1C02  }
0x64: {  	[timem:s3], [sflag:s2] =	dma.local @!p0 [hbm:s0], s1  }
0x65: {  	s0 =	simm.s32 @!p0 $0x2  }
0x66: {  	_ =	swait.ge @!p0 [sflag:s0], s1  }
0x67: {  	s1 =	ssub.s32 @!p0 $0x0, s1;
	[sflag:s0] =	ssyncset.done @!p0 $0x0  }
0x68: {  	[sflag:s0] =	ssyncadd.s32 @!p0 s1  }
0x69: {  	[bflag:$0x3] =	sbarrier.arrive $0xFFFF  }
0x6a: {  	_ =	shalt  }

</sc_bundles>
